<compile_context>
chip_gen: v7x
topology: tpu7x:2x2x1
jax: 0.10.2.dev20260603
libtpu: 0.0.44.dev20260713+nightly
codegen_flags: <defaults>
</compile_context>

<pallas_src>
import functools

import jax
import jax.numpy as jnp
from jax import lax
from jax.experimental import pallas as pl
from jax.experimental.pallas import tpu as pltpu
from jax.experimental.pallas import tpu_sc as plsc

NUM_CORES = 2
NUM_SUBCORES = 16
NUM_WORKERS = NUM_CORES * NUM_SUBCORES

CHUNK = 256
NBUF = 6
KLAG = 3


@functools.partial(jax.jit, static_argnames=("b", "d"))
def _embed_lookup(idx_flat, weight, *, b, d):
    b_per_w = b // NUM_WORKERS
    n_chunks = b_per_w // CHUNK
    mesh = plsc.VectorSubcoreMesh(
        core_axis_name="c", subcore_axis_name="s",
        num_cores=NUM_CORES, num_subcores=NUM_SUBCORES,
    )

    @functools.partial(
        pl.kernel,
        mesh=mesh,
        out_type=jax.ShapeDtypeStruct((b, d), jnp.float32),
        scratch_types=[
            pltpu.VMEM((b_per_w,), jnp.int32),
            pltpu.VMEM((NBUF, CHUNK, d), jnp.float32),
            pltpu.SemaphoreType.DMA,
            pltpu.SemaphoreType.DMA,
        ],
        compiler_params=pltpu.CompilerParams(use_tc_tiling_on_sc=False),
    )
    def run(idx_hbm, table_hbm, out_hbm, idx_v, rows_v, gsem, osem):
        wid = lax.axis_index("s") * NUM_CORES + lax.axis_index("c")
        base = wid * b_per_w
        pltpu.sync_copy(idx_hbm.at[pl.ds(base, b_per_w)], idx_v)

        def gather(j, slot):
            return pltpu.async_copy(
                table_hbm.at[idx_v.at[pl.ds(j * CHUNK, CHUNK)]],
                rows_v.at[slot], gsem)

        def put(j, slot):
            return pltpu.async_copy(
                rows_v.at[slot],
                out_hbm.at[pl.ds(base + j * CHUNK, CHUNK)], osem)

        def drain_gather(slot):
            pltpu.make_async_copy(
                table_hbm.at[idx_v.at[pl.ds(0, CHUNK)]], rows_v.at[slot],
                gsem).wait()

        def drain_put(slot):
            pltpu.make_async_copy(
                rows_v.at[slot], out_hbm.at[pl.ds(base, CHUNK)], osem).wait()

        for s in range(NBUF):
            gather(s, s)

        for j in range(KLAG):
            drain_gather(j % NBUF)
            put(j, j % NBUF)

        def body(j, _):
            slot = lax.rem(j, NBUF)
            drain_gather(slot)
            put(j, slot)
            old = lax.rem(j - KLAG, NBUF)
            drain_put(old)
            gather(j - KLAG + NBUF, old)
            return 0

        lax.fori_loop(KLAG, n_chunks - NBUF + KLAG, body, 0, unroll=False)

        for j in range(n_chunks - NBUF + KLAG, n_chunks):
            slot = j % NBUF
            drain_gather(slot)
            put(j, slot)
        for j in range(n_chunks - NBUF, n_chunks):
            drain_put(j % NBUF)

    return run(idx_flat, weight)


def kernel(token_ids, weight):
    s, t = token_ids.shape
    d = weight.shape[1]
    idx_flat = token_ids.reshape(s * t).astype(jnp.int32)
    out = _embed_lookup(idx_flat, weight, b=s * t, d=d)
    return out.reshape(s, t, d)

# --- scband reference (transcript-rebuilt; emitter-appended) ---
"""Pipeline reference for scband-embedding-10239202033703 (READ-ONLY COPY).

The authoritative reference and input builder live on the scoring server;
editing this copy changes nothing except your own understanding.
"""

import jax, jax.numpy as jnp
import numpy as np

NUM_EMBEDDINGS = 1000000
EMBEDDING_DIM = 64

def setup_inputs(seed: int = 0) -> dict:
    key = jax.random.key(seed)
    k1, k2 = jax.random.split(key)
    token_ids = jax.random.randint(k1, (16384, 50), 0, NUM_EMBEDDINGS, dtype=jnp.int64 if jax.config.jax_enable_x64 else jnp.int32)
    # trunc_normal_(mean=0, std=1, a=-3, b=3) approximated by truncated normal
    weight = jax.random.truncated_normal(k2, -3.0, 3.0, (NUM_EMBEDDINGS, EMBEDDING_DIM), dtype=jnp.float32)
    return {"token_ids": token_ids, "weight": weight}

def reference(token_ids, weight):
    # Embedding lookup: weight[token_ids]
    return jnp.take(weight, token_ids, axis=0)

if __name__ == "__main__":
    import jax
    _d = setup_inputs()
    print(jax.jit(kernel)(*tuple(_d.values())))

</pallas_src>

<mosaic_0001>
#map = affine_map<(d0, d1) -> (0)>
#map1 = affine_map<(d0, d1) -> (0, 0)>
module attributes {stable_mosaic.version = 14 : i64} {
  func.func @run(%arg0: i32, %arg1: i32, %arg2: memref<819200xi32, #tpu.memory_space<hbm>>, %arg3: memref<1000000x64xf32, #tpu.memory_space<hbm>>, %arg4: memref<819200x64xf32, #tpu.memory_space<hbm>>, %arg5: memref<25600xi32, #tpu.memory_space<vmem>>, %arg6: memref<6x256x64xf32, #tpu.memory_space<vmem>>, %arg7: memref<!tpu.dma_semaphore, #tpu.memory_space<semaphore_mem>>, %arg8: memref<!tpu.dma_semaphore, #tpu.memory_space<semaphore_mem>>) attributes {dimension_semantics = [#tpu.dimension_semantics<core_parallel>, #tpu.dimension_semantics<subcore_parallel>], iteration_bounds = array<i64: 2, 16>, scalar_prefetch = 0 : i64, scratch_operands = 4 : i64, tpu.core_type = #tpu.core_type<sc_vector_subcore>, window_params = [{transform_indices = #map}, {transform_indices = #map1}, {transform_indices = #map1}]} {
    %mul3A = arith.constant 2 : i32
    %mul3A_0 = arith.muli %arg1, %mul3A : i32
    %add3A = arith.addi %mul3A_0, %arg0 : i32
    %mul3A_1 = arith.constant 25600 : i32
    %mul3A_2 = arith.muli %add3A, %mul3A_1 : i32
    "tpu.region"() ({
      %run_scoped3A = tpu.sem_alloc : memref<!tpu.dma_semaphore, #tpu.memory_space<semaphore_mem>>
      %dma_start3A_295 = tpu.memref_slice %arg2[%mul3A_2] : memref<819200xi32, #tpu.memory_space<hbm>> -> memref<25600xi32, #tpu.memory_space<hbm>>
      %dma_start3A_296 = tpu.memref_slice %arg2[%mul3A_2] : memref<819200xi32, #tpu.memory_space<hbm>> -> memref<25600xi32, #tpu.memory_space<hbm>>
      tpu.enqueue_dma source(%dma_start3A_296 : memref<25600xi32, #tpu.memory_space<hbm>>) target(%arg5 : memref<25600xi32, #tpu.memory_space<vmem>>) target_semaphore(%run_scoped3A : memref<!tpu.dma_semaphore, #tpu.memory_space<semaphore_mem>>)
      %dma_wait3A_297 = tpu.memref_slice %arg2[%mul3A_2] : memref<819200xi32, #tpu.memory_space<hbm>> -> memref<25600xi32, #tpu.memory_space<hbm>>
      %dma_wait3A_298 = tpu.memref_slice %arg2[%mul3A_2] : memref<819200xi32, #tpu.memory_space<hbm>> -> memref<25600xi32, #tpu.memory_space<hbm>>
      tpu.wait_dma2 semaphore(%run_scoped3A : memref<!tpu.dma_semaphore, #tpu.memory_space<semaphore_mem>>) src(%dma_wait3A_298 : memref<25600xi32, #tpu.memory_space<hbm>>) dst(%arg5 : memref<25600xi32, #tpu.memory_space<vmem>>)
      tpu.yield
    }) : () -> ()
    %dma_start3A = arith.constant 0 : i32
    %dma_start3A_3 = arith.constant 0 : i32
    %dma_start3A_4 = arith.constant 0 : i32
    %dma_start3A_5 = tpu.memref_slice %arg6[%dma_start3A, %dma_start3A_3, %dma_start3A_4] : memref<6x256x64xf32, #tpu.memory_space<vmem>> -> memref<1x256x64xf32, #tpu.memory_space<vmem>>
    %dma_start3A_6 = tpu.memref_squeeze %dma_start3A_5 : memref<1x256x64xf32, #tpu.memory_space<vmem>> -> memref<256x64xf32, #tpu.memory_space<vmem>>
    %dma_start3A_7 = arith.constant 0 : i32
    %dma_start3A_8 = tpu.memref_slice %arg5[%dma_start3A_7] : memref<25600xi32, #tpu.memory_space<vmem>> -> memref<256xi32, #tpu.memory_space<vmem>>
    %dma_start3A_9 = arith.constant 0 : i32
    %dma_start3A_10 = arith.constant 0 : i32
    %dma_start3A_11 = tpu.memref_slice %arg3[%dma_start3A_9, %dma_start3A_10] : memref<1000000x64xf32, #tpu.memory_space<hbm>> -> memref<1000000x64xf32, #tpu.memory_space<hbm>>
    tpu.enqueue_indirect_dma source(%dma_start3A_11 : memref<1000000x64xf32, #tpu.memory_space<hbm>>) target(%dma_start3A_6 : memref<256x64xf32, #tpu.memory_space<vmem>>) offsets(%dma_start3A_8 : memref<256xi32, #tpu.memory_space<vmem>>) semaphore(%arg7 : memref<!tpu.dma_semaphore, #tpu.memory_space<semaphore_mem>>)
    %dma_start3A_12 = arith.constant 1 : i32
    %dma_start3A_13 = arith.constant 0 : i32
    %dma_start3A_14 = arith.constant 0 : i32
    %dma_start3A_15 = tpu.memref_slice %arg6[%dma_start3A_12, %dma_start3A_13, %dma_start3A_14] : memref<6x256x64xf32, #tpu.memory_space<vmem>> -> memref<1x256x64xf32, #tpu.memory_space<vmem>>
    %dma_start3A_16 = tpu.memref_squeeze %dma_start3A_15 : memref<1x256x64xf32, #tpu.memory_space<vmem>> -> memref<256x64xf32, #tpu.memory_space<vmem>>
    %dma_start3A_17 = arith.constant 256 : i32
    %dma_start3A_18 = tpu.memref_slice %arg5[%dma_start3A_17] : memref<25600xi32, #tpu.memory_space<vmem>> -> memref<256xi32, #tpu.memory_space<vmem>>
    %dma_start3A_19 = arith.constant 0 : i32
    %dma_start3A_20 = arith.constant 0 : i32
    %dma_start3A_21 = tpu.memref_slice %arg3[%dma_start3A_19, %dma_start3A_20] : memref<1000000x64xf32, #tpu.memory_space<hbm>> -> memref<1000000x64xf32, #tpu.memory_space<hbm>>
    tpu.enqueue_indirect_dma source(%dma_start3A_21 : memref<1000000x64xf32, #tpu.memory_space<hbm>>) target(%dma_start3A_16 : memref<256x64xf32, #tpu.memory_space<vmem>>) offsets(%dma_start3A_18 : memref<256xi32, #tpu.memory_space<vmem>>) semaphore(%arg7 : memref<!tpu.dma_semaphore, #tpu.memory_space<semaphore_mem>>)
    %dma_start3A_22 = arith.constant 2 : i32
    %dma_start3A_23 = arith.constant 0 : i32
    %dma_start3A_24 = arith.constant 0 : i32
    %dma_start3A_25 = tpu.memref_slice %arg6[%dma_start3A_22, %dma_start3A_23, %dma_start3A_24] : memref<6x256x64xf32, #tpu.memory_space<vmem>> -> memref<1x256x64xf32, #tpu.memory_space<vmem>>
    %dma_start3A_26 = tpu.memref_squeeze %dma_start3A_25 : memref<1x256x64xf32, #tpu.memory_space<vmem>> -> memref<256x64xf32, #tpu.memory_space<vmem>>
    %dma_start3A_27 = arith.constant 512 : i32
    %dma_start3A_28 = tpu.memref_slice %arg5[%dma_start3A_27] : memref<25600xi32, #tpu.memory_space<vmem>> -> memref<256xi32, #tpu.memory_space<vmem>>
    %dma_start3A_29 = arith.constant 0 : i32
    %dma_start3A_30 = arith.constant 0 : i32
    %dma_start3A_31 = tpu.memref_slice %arg3[%dma_start3A_29, %dma_start3A_30] : memref<1000000x64xf32, #tpu.memory_space<hbm>> -> memref<1000000x64xf32, #tpu.memory_space<hbm>>
    tpu.enqueue_indirect_dma source(%dma_start3A_31 : memref<1000000x64xf32, #tpu.memory_space<hbm>>) target(%dma_start3A_26 : memref<256x64xf32, #tpu.memory_space<vmem>>) offsets(%dma_start3A_28 : memref<256xi32, #tpu.memory_space<vmem>>) semaphore(%arg7 : memref<!tpu.dma_semaphore, #tpu.memory_space<semaphore_mem>>)
    %dma_start3A_32 = arith.constant 3 : i32
    %dma_start3A_33 = arith.constant 0 : i32
    %dma_start3A_34 = arith.constant 0 : i32
    %dma_start3A_35 = tpu.memref_slice %arg6[%dma_start3A_32, %dma_start3A_33, %dma_start3A_34] : memref<6x256x64xf32, #tpu.memory_space<vmem>> -> memref<1x256x64xf32, #tpu.memory_space<vmem>>
    %dma_start3A_36 = tpu.memref_squeeze %dma_start3A_35 : memref<1x256x64xf32, #tpu.memory_space<vmem>> -> memref<256x64xf32, #tpu.memory_space<vmem>>
    %dma_start3A_37 = arith.constant 768 : i32
    %dma_start3A_38 = tpu.memref_slice %arg5[%dma_start3A_37] : memref<25600xi32, #tpu.memory_space<vmem>> -> memref<256xi32, #tpu.memory_space<vmem>>
    %dma_start3A_39 = arith.constant 0 : i32
    %dma_start3A_40 = arith.constant 0 : i32
    %dma_start3A_41 = tpu.memref_slice %arg3[%dma_start3A_39, %dma_start3A_40] : memref<1000000x64xf32, #tpu.memory_space<hbm>> -> memref<1000000x64xf32, #tpu.memory_space<hbm>>
    tpu.enqueue_indirect_dma source(%dma_start3A_41 : memref<1000000x64xf32, #tpu.memory_space<hbm>>) target(%dma_start3A_36 : memref<256x64xf32, #tpu.memory_space<vmem>>) offsets(%dma_start3A_38 : memref<256xi32, #tpu.memory_space<vmem>>) semaphore(%arg7 : memref<!tpu.dma_semaphore, #tpu.memory_space<semaphore_mem>>)
    %dma_start3A_42 = arith.constant 4 : i32
    %dma_start3A_43 = arith.constant 0 : i32
    %dma_start3A_44 = arith.constant 0 : i32
    %dma_start3A_45 = tpu.memref_slice %arg6[%dma_start3A_42, %dma_start3A_43, %dma_start3A_44] : memref<6x256x64xf32, #tpu.memory_space<vmem>> -> memref<1x256x64xf32, #tpu.memory_space<vmem>>
    %dma_start3A_46 = tpu.memref_squeeze %dma_start3A_45 : memref<1x256x64xf32, #tpu.memory_space<vmem>> -> memref<256x64xf32, #tpu.memory_space<vmem>>
    %dma_start3A_47 = arith.constant 1024 : i32
    %dma_start3A_48 = tpu.memref_slice %arg5[%dma_start3A_47] : memref<25600xi32, #tpu.memory_space<vmem>> -> memref<256xi32, #tpu.memory_space<vmem>>
    %dma_start3A_49 = arith.constant 0 : i32
    %dma_start3A_50 = arith.constant 0 : i32
    %dma_start3A_51 = tpu.memref_slice %arg3[%dma_start3A_49, %dma_start3A_50] : memref<1000000x64xf32, #tpu.memory_space<hbm>> -> memref<1000000x64xf32, #tpu.memory_space<hbm>>
    tpu.enqueue_indirect_dma source(%dma_start3A_51 : memref<1000000x64xf32, #tpu.memory_space<hbm>>) target(%dma_start3A_46 : memref<256x64xf32, #tpu.memory_space<vmem>>) offsets(%dma_start3A_48 : memref<256xi32, #tpu.memory_space<vmem>>) semaphore(%arg7 : memref<!tpu.dma_semaphore, #tpu.memory_space<semaphore_mem>>)
    %dma_start3A_52 = arith.constant 5 : i32
    %dma_start3A_53 = arith.constant 0 : i32
    %dma_start3A_54 = arith.constant 0 : i32
    %dma_start3A_55 = tpu.memref_slice %arg6[%dma_start3A_52, %dma_start3A_53, %dma_start3A_54] : memref<6x256x64xf32, #tpu.memory_space<vmem>> -> memref<1x256x64xf32, #tpu.memory_space<vmem>>
    %dma_start3A_56 = tpu.memref_squeeze %dma_start3A_55 : memref<1x256x64xf32, #tpu.memory_space<vmem>> -> memref<256x64xf32, #tpu.memory_space<vmem>>
    %dma_start3A_57 = arith.constant 1280 : i32
    %dma_start3A_58 = tpu.memref_slice %arg5[%dma_start3A_57] : memref<25600xi32, #tpu.memory_space<vmem>> -> memref<256xi32, #tpu.memory_space<vmem>>
    %dma_start3A_59 = arith.constant 0 : i32
    %dma_start3A_60 = arith.constant 0 : i32
    %dma_start3A_61 = tpu.memref_slice %arg3[%dma_start3A_59, %dma_start3A_60] : memref<1000000x64xf32, #tpu.memory_space<hbm>> -> memref<1000000x64xf32, #tpu.memory_space<hbm>>
    tpu.enqueue_indirect_dma source(%dma_start3A_61 : memref<1000000x64xf32, #tpu.memory_space<hbm>>) target(%dma_start3A_56 : memref<256x64xf32, #tpu.memory_space<vmem>>) offsets(%dma_start3A_58 : memref<256xi32, #tpu.memory_space<vmem>>) semaphore(%arg7 : memref<!tpu.dma_semaphore, #tpu.memory_space<semaphore_mem>>)
    %dma_wait3A = arith.constant 0 : i32
    %dma_wait3A_62 = arith.constant 0 : i32
    %dma_wait3A_63 = arith.constant 0 : i32
    %dma_wait3A_64 = tpu.memref_slice %arg6[%dma_wait3A, %dma_wait3A_62, %dma_wait3A_63] : memref<6x256x64xf32, #tpu.memory_space<vmem>> -> memref<1x256x64xf32, #tpu.memory_space<vmem>>
    %dma_wait3A_65 = tpu.memref_squeeze %dma_wait3A_64 : memref<1x256x64xf32, #tpu.memory_space<vmem>> -> memref<256x64xf32, #tpu.memory_space<vmem>>
    %dma_wait3A_66 = arith.constant 0 : i32
    %dma_wait3A_67 = tpu.memref_slice %arg5[%dma_wait3A_66] : memref<25600xi32, #tpu.memory_space<vmem>> -> memref<256xi32, #tpu.memory_space<vmem>>
    %dma_wait3A_68 = arith.constant 0 : i32
    %dma_wait3A_69 = arith.constant 0 : i32
    %dma_wait3A_70 = tpu.memref_slice %arg3[%dma_wait3A_68, %dma_wait3A_69] : memref<1000000x64xf32, #tpu.memory_space<hbm>> -> memref<1000000x64xf32, #tpu.memory_space<hbm>>
    tpu.wait_indirect_dma semaphore(%arg7 : memref<!tpu.dma_semaphore, #tpu.memory_space<semaphore_mem>>) src(%dma_wait3A_70 : memref<1000000x64xf32, #tpu.memory_space<hbm>>) dst(%dma_wait3A_65 : memref<256x64xf32, #tpu.memory_space<vmem>>)
    %add3A_71 = arith.constant 0 : i32
    %add3A_72 = arith.addi %mul3A_2, %add3A_71 : i32
    %dma_start3A_73 = arith.constant 0 : i32
    %dma_start3A_74 = arith.constant 0 : i32
    %dma_start3A_75 = arith.constant 0 : i32
    %dma_start3A_76 = tpu.memref_slice %arg6[%dma_start3A_73, %dma_start3A_74, %dma_start3A_75] : memref<6x256x64xf32, #tpu.memory_space<vmem>> -> memref<1x256x64xf32, #tpu.memory_space<vmem>>
    %dma_start3A_77 = tpu.memref_squeeze %dma_start3A_76 : memref<1x256x64xf32, #tpu.memory_space<vmem>> -> memref<256x64xf32, #tpu.memory_space<vmem>>
    %dma_start3A_78 = arith.constant 0 : i32
    %dma_start3A_79 = tpu.memref_slice %arg4[%add3A_72, %dma_start3A_78] : memref<819200x64xf32, #tpu.memory_space<hbm>> -> memref<256x64xf32, #tpu.memory_space<hbm>>
    %dma_start3A_80 = arith.constant 0 : i32
    %dma_start3A_81 = tpu.memref_slice %arg4[%add3A_72, %dma_start3A_80] : memref<819200x64xf32, #tpu.memory_space<hbm>> -> memref<256x64xf32, #tpu.memory_space<hbm>>
    %dma_start3A_82 = arith.constant 0 : i32
    %dma_start3A_83 = arith.constant 0 : i32
    %dma_start3A_84 = tpu.memref_slice %arg6[%dma_start3A_73, %dma_start3A_82, %dma_start3A_83] : memref<6x256x64xf32, #tpu.memory_space<vmem>> -> memref<1x256x64xf32, #tpu.memory_space<vmem>>
    %dma_start3A_85 = tpu.memref_squeeze %dma_start3A_84 : memref<1x256x64xf32, #tpu.memory_space<vmem>> -> memref<256x64xf32, #tpu.memory_space<vmem>>
    tpu.enqueue_dma source(%dma_start3A_85 : memref<256x64xf32, #tpu.memory_space<vmem>>) target(%dma_start3A_81 : memref<256x64xf32, #tpu.memory_space<hbm>>) target_semaphore(%arg8 : memref<!tpu.dma_semaphore, #tpu.memory_space<semaphore_mem>>)
    %dma_wait3A_86 = arith.constant 1 : i32
    %dma_wait3A_87 = arith.constant 0 : i32
    %dma_wait3A_88 = arith.constant 0 : i32
    %dma_wait3A_89 = tpu.memref_slice %arg6[%dma_wait3A_86, %dma_wait3A_87, %dma_wait3A_88] : memref<6x256x64xf32, #tpu.memory_space<vmem>> -> memref<1x256x64xf32, #tpu.memory_space<vmem>>
    %dma_wait3A_90 = tpu.memref_squeeze %dma_wait3A_89 : memref<1x256x64xf32, #tpu.memory_space<vmem>> -> memref<256x64xf32, #tpu.memory_space<vmem>>
    %dma_wait3A_91 = arith.constant 0 : i32
    %dma_wait3A_92 = tpu.memref_slice %arg5[%dma_wait3A_91] : memref<25600xi32, #tpu.memory_space<vmem>> -> memref<256xi32, #tpu.memory_space<vmem>>
    %dma_wait3A_93 = arith.constant 0 : i32
    %dma_wait3A_94 = arith.constant 0 : i32
    %dma_wait3A_95 = tpu.memref_slice %arg3[%dma_wait3A_93, %dma_wait3A_94] : memref<1000000x64xf32, #tpu.memory_space<hbm>> -> memref<1000000x64xf32, #tpu.memory_space<hbm>>
    tpu.wait_indirect_dma semaphore(%arg7 : memref<!tpu.dma_semaphore, #tpu.memory_space<semaphore_mem>>) src(%dma_wait3A_95 : memref<1000000x64xf32, #tpu.memory_space<hbm>>) dst(%dma_wait3A_90 : memref<256x64xf32, #tpu.memory_space<vmem>>)
    %add3A_96 = arith.constant 256 : i32
    %add3A_97 = arith.addi %mul3A_2, %add3A_96 : i32
    %dma_start3A_98 = arith.constant 1 : i32
    %dma_start3A_99 = arith.constant 0 : i32
    %dma_start3A_100 = arith.constant 0 : i32
    %dma_start3A_101 = tpu.memref_slice %arg6[%dma_start3A_98, %dma_start3A_99, %dma_start3A_100] : memref<6x256x64xf32, #tpu.memory_space<vmem>> -> memref<1x256x64xf32, #tpu.memory_space<vmem>>
    %dma_start3A_102 = tpu.memref_squeeze %dma_start3A_101 : memref<1x256x64xf32, #tpu.memory_space<vmem>> -> memref<256x64xf32, #tpu.memory_space<vmem>>
    %dma_start3A_103 = arith.constant 0 : i32
    %dma_start3A_104 = tpu.memref_slice %arg4[%add3A_97, %dma_start3A_103] : memref<819200x64xf32, #tpu.memory_space<hbm>> -> memref<256x64xf32, #tpu.memory_space<hbm>>
    %dma_start3A_105 = arith.constant 0 : i32
    %dma_start3A_106 = tpu.memref_slice %arg4[%add3A_97, %dma_start3A_105] : memref<819200x64xf32, #tpu.memory_space<hbm>> -> memref<256x64xf32, #tpu.memory_space<hbm>>
    %dma_start3A_107 = arith.constant 0 : i32
    %dma_start3A_108 = arith.constant 0 : i32
    %dma_start3A_109 = tpu.memref_slice %arg6[%dma_start3A_98, %dma_start3A_107, %dma_start3A_108] : memref<6x256x64xf32, #tpu.memory_space<vmem>> -> memref<1x256x64xf32, #tpu.memory_space<vmem>>
    %dma_start3A_110 = tpu.memref_squeeze %dma_start3A_109 : memref<1x256x64xf32, #tpu.memory_space<vmem>> -> memref<256x64xf32, #tpu.memory_space<vmem>>
    tpu.enqueue_dma source(%dma_start3A_110 : memref<256x64xf32, #tpu.memory_space<vmem>>) target(%dma_start3A_106 : memref<256x64xf32, #tpu.memory_space<hbm>>) target_semaphore(%arg8 : memref<!tpu.dma_semaphore, #tpu.memory_space<semaphore_mem>>)
    %dma_wait3A_111 = arith.constant 2 : i32
    %dma_wait3A_112 = arith.constant 0 : i32
    %dma_wait3A_113 = arith.constant 0 : i32
    %dma_wait3A_114 = tpu.memref_slice %arg6[%dma_wait3A_111, %dma_wait3A_112, %dma_wait3A_113] : memref<6x256x64xf32, #tpu.memory_space<vmem>> -> memref<1x256x64xf32, #tpu.memory_space<vmem>>
    %dma_wait3A_115 = tpu.memref_squeeze %dma_wait3A_114 : memref<1x256x64xf32, #tpu.memory_space<vmem>> -> memref<256x64xf32, #tpu.memory_space<vmem>>
    %dma_wait3A_116 = arith.constant 0 : i32
    %dma_wait3A_117 = tpu.memref_slice %arg5[%dma_wait3A_116] : memref<25600xi32, #tpu.memory_space<vmem>> -> memref<256xi32, #tpu.memory_space<vmem>>
    %dma_wait3A_118 = arith.constant 0 : i32
    %dma_wait3A_119 = arith.constant 0 : i32
    %dma_wait3A_120 = tpu.memref_slice %arg3[%dma_wait3A_118, %dma_wait3A_119] : memref<1000000x64xf32, #tpu.memory_space<hbm>> -> memref<1000000x64xf32, #tpu.memory_space<hbm>>
    tpu.wait_indirect_dma semaphore(%arg7 : memref<!tpu.dma_semaphore, #tpu.memory_space<semaphore_mem>>) src(%dma_wait3A_120 : memref<1000000x64xf32, #tpu.memory_space<hbm>>) dst(%dma_wait3A_115 : memref<256x64xf32, #tpu.memory_space<vmem>>)
    %add3A_121 = arith.constant 512 : i32
    %add3A_122 = arith.addi %mul3A_2, %add3A_121 : i32
    %dma_start3A_123 = arith.constant 2 : i32
    %dma_start3A_124 = arith.constant 0 : i32
    %dma_start3A_125 = arith.constant 0 : i32
    %dma_start3A_126 = tpu.memref_slice %arg6[%dma_start3A_123, %dma_start3A_124, %dma_start3A_125] : memref<6x256x64xf32, #tpu.memory_space<vmem>> -> memref<1x256x64xf32, #tpu.memory_space<vmem>>
    %dma_start3A_127 = tpu.memref_squeeze %dma_start3A_126 : memref<1x256x64xf32, #tpu.memory_space<vmem>> -> memref<256x64xf32, #tpu.memory_space<vmem>>
    %dma_start3A_128 = arith.constant 0 : i32
    %dma_start3A_129 = tpu.memref_slice %arg4[%add3A_122, %dma_start3A_128] : memref<819200x64xf32, #tpu.memory_space<hbm>> -> memref<256x64xf32, #tpu.memory_space<hbm>>
    %dma_start3A_130 = arith.constant 0 : i32
    %dma_start3A_131 = tpu.memref_slice %arg4[%add3A_122, %dma_start3A_130] : memref<819200x64xf32, #tpu.memory_space<hbm>> -> memref<256x64xf32, #tpu.memory_space<hbm>>
    %dma_start3A_132 = arith.constant 0 : i32
    %dma_start3A_133 = arith.constant 0 : i32
    %dma_start3A_134 = tpu.memref_slice %arg6[%dma_start3A_123, %dma_start3A_132, %dma_start3A_133] : memref<6x256x64xf32, #tpu.memory_space<vmem>> -> memref<1x256x64xf32, #tpu.memory_space<vmem>>
    %dma_start3A_135 = tpu.memref_squeeze %dma_start3A_134 : memref<1x256x64xf32, #tpu.memory_space<vmem>> -> memref<256x64xf32, #tpu.memory_space<vmem>>
    tpu.enqueue_dma source(%dma_start3A_135 : memref<256x64xf32, #tpu.memory_space<vmem>>) target(%dma_start3A_131 : memref<256x64xf32, #tpu.memory_space<hbm>>) target_semaphore(%arg8 : memref<!tpu.dma_semaphore, #tpu.memory_space<semaphore_mem>>)
    %scan3A = arith.constant 0 : i32
    %scan3A_136 = arith.constant 3 : i32
    %scan3A_137 = arith.constant 94 : i32
    %scan3A_138 = arith.addi %scan3A_136, %scan3A_137 : i32
    %scan3A_139 = arith.constant 1 : i32
    %scan3A_140 = scf.for %scan3A_295 = %scan3A_136 to %scan3A_138 step %scan3A_139 iter_args(%scan3A_296 = %scan3A) -> (i32)  : i32 {
      %rem3A = arith.constant 6 : i32
      %rem3A_297 = arith.remsi %scan3A_295, %rem3A : i32
      %dma_wait3A_298 = arith.constant 0 : i32
      %dma_wait3A_299 = arith.constant 0 : i32
      %dma_wait3A_300 = tpu.memref_slice %arg6[%rem3A_297, %dma_wait3A_298, %dma_wait3A_299] : memref<6x256x64xf32, #tpu.memory_space<vmem>> -> memref<1x256x64xf32, #tpu.memory_space<vmem>>
      %dma_wait3A_301 = tpu.memref_squeeze %dma_wait3A_300 : memref<1x256x64xf32, #tpu.memory_space<vmem>> -> memref<256x64xf32, #tpu.memory_space<vmem>>
      %dma_wait3A_302 = arith.constant 0 : i32
      %dma_wait3A_303 = tpu.memref_slice %arg5[%dma_wait3A_302] : memref<25600xi32, #tpu.memory_space<vmem>> -> memref<256xi32, #tpu.memory_space<vmem>>
      %dma_wait3A_304 = arith.constant 0 : i32
      %dma_wait3A_305 = arith.constant 0 : i32
      %dma_wait3A_306 = tpu.memref_slice %arg3[%dma_wait3A_304, %dma_wait3A_305] : memref<1000000x64xf32, #tpu.memory_space<hbm>> -> memref<1000000x64xf32, #tpu.memory_space<hbm>>
      tpu.wait_indirect_dma semaphore(%arg7 : memref<!tpu.dma_semaphore, #tpu.memory_space<semaphore_mem>>) src(%dma_wait3A_306 : memref<1000000x64xf32, #tpu.memory_space<hbm>>) dst(%dma_wait3A_301 : memref<256x64xf32, #tpu.memory_space<vmem>>)
      %mul3A_307 = arith.constant 256 : i32
      %mul3A_308 = arith.muli %scan3A_295, %mul3A_307 : i32
      %add3A_309 = arith.addi %mul3A_2, %mul3A_308 : i32
      %dma_start3A_310 = arith.constant 0 : i32
      %dma_start3A_311 = arith.constant 0 : i32
      %dma_start3A_312 = tpu.memref_slice %arg6[%rem3A_297, %dma_start3A_310, %dma_start3A_311] : memref<6x256x64xf32, #tpu.memory_space<vmem>> -> memref<1x256x64xf32, #tpu.memory_space<vmem>>
      %dma_start3A_313 = tpu.memref_squeeze %dma_start3A_312 : memref<1x256x64xf32, #tpu.memory_space<vmem>> -> memref<256x64xf32, #tpu.memory_space<vmem>>
      %dma_start3A_314 = arith.constant 0 : i32
      %dma_start3A_315 = tpu.memref_slice %arg4[%add3A_309, %dma_start3A_314] : memref<819200x64xf32, #tpu.memory_space<hbm>> -> memref<256x64xf32, #tpu.memory_space<hbm>>
      %dma_start3A_316 = arith.constant 0 : i32
      %dma_start3A_317 = tpu.memref_slice %arg4[%add3A_309, %dma_start3A_316] : memref<819200x64xf32, #tpu.memory_space<hbm>> -> memref<256x64xf32, #tpu.memory_space<hbm>>
      %dma_start3A_318 = arith.constant 0 : i32
      %dma_start3A_319 = arith.constant 0 : i32
      %dma_start3A_320 = tpu.memref_slice %arg6[%rem3A_297, %dma_start3A_318, %dma_start3A_319] : memref<6x256x64xf32, #tpu.memory_space<vmem>> -> memref<1x256x64xf32, #tpu.memory_space<vmem>>
      %dma_start3A_321 = tpu.memref_squeeze %dma_start3A_320 : memref<1x256x64xf32, #tpu.memory_space<vmem>> -> memref<256x64xf32, #tpu.memory_space<vmem>>
      tpu.enqueue_dma source(%dma_start3A_321 : memref<256x64xf32, #tpu.memory_space<vmem>>) target(%dma_start3A_317 : memref<256x64xf32, #tpu.memory_space<hbm>>) target_semaphore(%arg8 : memref<!tpu.dma_semaphore, #tpu.memory_space<semaphore_mem>>)
      %sub3A = arith.constant 3 : i32
      %sub3A_322 = arith.subi %scan3A_295, %sub3A : i32
      %rem3A_323 = arith.constant 6 : i32
      %rem3A_324 = arith.remsi %sub3A_322, %rem3A_323 : i32
      %dma_wait3A_325 = arith.constant 0 : i32
      %dma_wait3A_326 = arith.constant 0 : i32
      %dma_wait3A_327 = tpu.memref_slice %arg6[%rem3A_324, %dma_wait3A_325, %dma_wait3A_326] : memref<6x256x64xf32, #tpu.memory_space<vmem>> -> memref<1x256x64xf32, #tpu.memory_space<vmem>>
      %dma_wait3A_328 = tpu.memref_squeeze %dma_wait3A_327 : memref<1x256x64xf32, #tpu.memory_space<vmem>> -> memref<256x64xf32, #tpu.memory_space<vmem>>
      %dma_wait3A_329 = arith.constant 0 : i32
      %dma_wait3A_330 = tpu.memref_slice %arg4[%mul3A_2, %dma_wait3A_329] : memref<819200x64xf32, #tpu.memory_space<hbm>> -> memref<256x64xf32, #tpu.memory_space<hbm>>
      %dma_wait3A_331 = arith.constant 0 : i32
      %dma_wait3A_332 = tpu.memref_slice %arg4[%mul3A_2, %dma_wait3A_331] : memref<819200x64xf32, #tpu.memory_space<hbm>> -> memref<256x64xf32, #tpu.memory_space<hbm>>
      %dma_wait3A_333 = arith.constant 0 : i32
      %dma_wait3A_334 = arith.constant 0 : i32
      %dma_wait3A_335 = tpu.memref_slice %arg6[%rem3A_324, %dma_wait3A_333, %dma_wait3A_334] : memref<6x256x64xf32, #tpu.memory_space<vmem>> -> memref<1x256x64xf32, #tpu.memory_space<vmem>>
      %dma_wait3A_336 = tpu.memref_squeeze %dma_wait3A_335 : memref<1x256x64xf32, #tpu.memory_space<vmem>> -> memref<256x64xf32, #tpu.memory_space<vmem>>
      tpu.wait_dma2 semaphore(%arg8 : memref<!tpu.dma_semaphore, #tpu.memory_space<semaphore_mem>>) src(%dma_wait3A_336 : memref<256x64xf32, #tpu.memory_space<vmem>>) dst(%dma_wait3A_332 : memref<256x64xf32, #tpu.memory_space<hbm>>)
      %sub3A_337 = arith.constant 3 : i32
      %sub3A_338 = arith.subi %scan3A_295, %sub3A_337 : i32
      %add3A_339 = arith.constant 6 : i32
      %add3A_340 = arith.addi %sub3A_338, %add3A_339 : i32
      %mul3A_341 = arith.constant 256 : i32
      %mul3A_342 = arith.muli %add3A_340, %mul3A_341 : i32
      %dma_start3A_343 = arith.constant 0 : i32
      %dma_start3A_344 = arith.constant 0 : i32
      %dma_start3A_345 = tpu.memref_slice %arg6[%rem3A_324, %dma_start3A_343, %dma_start3A_344] : memref<6x256x64xf32, #tpu.memory_space<vmem>> -> memref<1x256x64xf32, #tpu.memory_space<vmem>>
      %dma_start3A_346 = tpu.memref_squeeze %dma_start3A_345 : memref<1x256x64xf32, #tpu.memory_space<vmem>> -> memref<256x64xf32, #tpu.memory_space<vmem>>
      %dma_start3A_347 = tpu.memref_slice %arg5[%mul3A_342] : memref<25600xi32, #tpu.memory_space<vmem>> -> memref<256xi32, #tpu.memory_space<vmem>>
      %dma_start3A_348 = arith.constant 0 : i32
      %dma_start3A_349 = arith.constant 0 : i32
      %dma_start3A_350 = tpu.memref_slice %arg3[%dma_start3A_348, %dma_start3A_349] : memref<1000000x64xf32, #tpu.memory_space<hbm>> -> memref<1000000x64xf32, #tpu.memory_space<hbm>>
      tpu.enqueue_indirect_dma source(%dma_start3A_350 : memref<1000000x64xf32, #tpu.memory_space<hbm>>) target(%dma_start3A_346 : memref<256x64xf32, #tpu.memory_space<vmem>>) offsets(%dma_start3A_347 : memref<256xi32, #tpu.memory_space<vmem>>) semaphore(%arg7 : memref<!tpu.dma_semaphore, #tpu.memory_space<semaphore_mem>>)
      %scan3A_351 = arith.constant 0 : i32
      scf.yield %scan3A_351 : i32
    }
    %scan3A_141 = arith.constant 94 : i32
    %dma_wait3A_142 = arith.constant 1 : i32
    %dma_wait3A_143 = arith.constant 0 : i32
    %dma_wait3A_144 = arith.constant 0 : i32
    %dma_wait3A_145 = tpu.memref_slice %arg6[%dma_wait3A_142, %dma_wait3A_143, %dma_wait3A_144] : memref<6x256x64xf32, #tpu.memory_space<vmem>> -> memref<1x256x64xf32, #tpu.memory_space<vmem>>
    %dma_wait3A_146 = tpu.memref_squeeze %dma_wait3A_145 : memref<1x256x64xf32, #tpu.memory_space<vmem>> -> memref<256x64xf32, #tpu.memory_space<vmem>>
    %dma_wait3A_147 = arith.constant 0 : i32
    %dma_wait3A_148 = tpu.memref_slice %arg5[%dma_wait3A_147] : memref<25600xi32, #tpu.memory_space<vmem>> -> memref<256xi32, #tpu.memory_space<vmem>>
    %dma_wait3A_149 = arith.constant 0 : i32
    %dma_wait3A_150 = arith.constant 0 : i32
    %dma_wait3A_151 = tpu.memref_slice %arg3[%dma_wait3A_149, %dma_wait3A_150] : memref<1000000x64xf32, #tpu.memory_space<hbm>> -> memref<1000000x64xf32, #tpu.memory_space<hbm>>
    tpu.wait_indirect_dma semaphore(%arg7 : memref<!tpu.dma_semaphore, #tpu.memory_space<semaphore_mem>>) src(%dma_wait3A_151 : memref<1000000x64xf32, #tpu.memory_space<hbm>>) dst(%dma_wait3A_146 : memref<256x64xf32, #tpu.memory_space<vmem>>)
    %add3A_152 = arith.constant 24832 : i32
    %add3A_153 = arith.addi %mul3A_2, %add3A_152 : i32
    %dma_start3A_154 = arith.constant 1 : i32
    %dma_start3A_155 = arith.constant 0 : i32
    %dma_start3A_156 = arith.constant 0 : i32
    %dma_start3A_157 = tpu.memref_slice %arg6[%dma_start3A_154, %dma_start3A_155, %dma_start3A_156] : memref<6x256x64xf32, #tpu.memory_space<vmem>> -> memref<1x256x64xf32, #tpu.memory_space<vmem>>
    %dma_start3A_158 = tpu.memref_squeeze %dma_start3A_157 : memref<1x256x64xf32, #tpu.memory_space<vmem>> -> memref<256x64xf32, #tpu.memory_space<vmem>>
    %dma_start3A_159 = arith.constant 0 : i32
    %dma_start3A_160 = tpu.memref_slice %arg4[%add3A_153, %dma_start3A_159] : memref<819200x64xf32, #tpu.memory_space<hbm>> -> memref<256x64xf32, #tpu.memory_space<hbm>>
    %dma_start3A_161 = arith.constant 0 : i32
    %dma_start3A_162 = tpu.memref_slice %arg4[%add3A_153, %dma_start3A_161] : memref<819200x64xf32, #tpu.memory_space<hbm>> -> memref<256x64xf32, #tpu.memory_space<hbm>>
    %dma_start3A_163 = arith.constant 0 : i32
    %dma_start3A_164 = arith.constant 0 : i32
    %dma_start3A_165 = tpu.memref_slice %arg6[%dma_start3A_154, %dma_start3A_163, %dma_start3A_164] : memref<6x256x64xf32, #tpu.memory_space<vmem>> -> memref<1x256x64xf32, #tpu.memory_space<vmem>>
    %dma_start3A_166 = tpu.memref_squeeze %dma_start3A_165 : memref<1x256x64xf32, #tpu.memory_space<vmem>> -> memref<256x64xf32, #tpu.memory_space<vmem>>
    tpu.enqueue_dma source(%dma_start3A_166 : memref<256x64xf32, #tpu.memory_space<vmem>>) target(%dma_start3A_162 : memref<256x64xf32, #tpu.memory_space<hbm>>) target_semaphore(%arg8 : memref<!tpu.dma_semaphore, #tpu.memory_space<semaphore_mem>>)
    %dma_wait3A_167 = arith.constant 2 : i32
    %dma_wait3A_168 = arith.constant 0 : i32
    %dma_wait3A_169 = arith.constant 0 : i32
    %dma_wait3A_170 = tpu.memref_slice %arg6[%dma_wait3A_167, %dma_wait3A_168, %dma_wait3A_169] : memref<6x256x64xf32, #tpu.memory_space<vmem>> -> memref<1x256x64xf32, #tpu.memory_space<vmem>>
    %dma_wait3A_171 = tpu.memref_squeeze %dma_wait3A_170 : memref<1x256x64xf32, #tpu.memory_space<vmem>> -> memref<256x64xf32, #tpu.memory_space<vmem>>
    %dma_wait3A_172 = arith.constant 0 : i32
    %dma_wait3A_173 = tpu.memref_slice %arg5[%dma_wait3A_172] : memref<25600xi32, #tpu.memory_space<vmem>> -> memref<256xi32, #tpu.memory_space<vmem>>
    %dma_wait3A_174 = arith.constant 0 : i32
    %dma_wait3A_175 = arith.constant 0 : i32
    %dma_wait3A_176 = tpu.memref_slice %arg3[%dma_wait3A_174, %dma_wait3A_175] : memref<1000000x64xf32, #tpu.memory_space<hbm>> -> memref<1000000x64xf32, #tpu.memory_space<hbm>>
    tpu.wait_indirect_dma semaphore(%arg7 : memref<!tpu.dma_semaphore, #tpu.memory_space<semaphore_mem>>) src(%dma_wait3A_176 : memref<1000000x64xf32, #tpu.memory_space<hbm>>) dst(%dma_wait3A_171 : memref<256x64xf32, #tpu.memory_space<vmem>>)
    %add3A_177 = arith.constant 25088 : i32
    %add3A_178 = arith.addi %mul3A_2, %add3A_177 : i32
    %dma_start3A_179 = arith.constant 2 : i32
    %dma_start3A_180 = arith.constant 0 : i32
    %dma_start3A_181 = arith.constant 0 : i32
    %dma_start3A_182 = tpu.memref_slice %arg6[%dma_start3A_179, %dma_start3A_180, %dma_start3A_181] : memref<6x256x64xf32, #tpu.memory_space<vmem>> -> memref<1x256x64xf32, #tpu.memory_space<vmem>>
    %dma_start3A_183 = tpu.memref_squeeze %dma_start3A_182 : memref<1x256x64xf32, #tpu.memory_space<vmem>> -> memref<256x64xf32, #tpu.memory_space<vmem>>
    %dma_start3A_184 = arith.constant 0 : i32
    %dma_start3A_185 = tpu.memref_slice %arg4[%add3A_178, %dma_start3A_184] : memref<819200x64xf32, #tpu.memory_space<hbm>> -> memref<256x64xf32, #tpu.memory_space<hbm>>
    %dma_start3A_186 = arith.constant 0 : i32
    %dma_start3A_187 = tpu.memref_slice %arg4[%add3A_178, %dma_start3A_186] : memref<819200x64xf32, #tpu.memory_space<hbm>> -> memref<256x64xf32, #tpu.memory_space<hbm>>
    %dma_start3A_188 = arith.constant 0 : i32
    %dma_start3A_189 = arith.constant 0 : i32
    %dma_start3A_190 = tpu.memref_slice %arg6[%dma_start3A_179, %dma_start3A_188, %dma_start3A_189] : memref<6x256x64xf32, #tpu.memory_space<vmem>> -> memref<1x256x64xf32, #tpu.memory_space<vmem>>
    %dma_start3A_191 = tpu.memref_squeeze %dma_start3A_190 : memref<1x256x64xf32, #tpu.memory_space<vmem>> -> memref<256x64xf32, #tpu.memory_space<vmem>>
    tpu.enqueue_dma source(%dma_start3A_191 : memref<256x64xf32, #tpu.memory_space<vmem>>) target(%dma_start3A_187 : memref<256x64xf32, #tpu.memory_space<hbm>>) target_semaphore(%arg8 : memref<!tpu.dma_semaphore, #tpu.memory_space<semaphore_mem>>)
    %dma_wait3A_192 = arith.constant 3 : i32
    %dma_wait3A_193 = arith.constant 0 : i32
    %dma_wait3A_194 = arith.constant 0 : i32
    %dma_wait3A_195 = tpu.memref_slice %arg6[%dma_wait3A_192, %dma_wait3A_193, %dma_wait3A_194] : memref<6x256x64xf32, #tpu.memory_space<vmem>> -> memref<1x256x64xf32, #tpu.memory_space<vmem>>
    %dma_wait3A_196 = tpu.memref_squeeze %dma_wait3A_195 : memref<1x256x64xf32, #tpu.memory_space<vmem>> -> memref<256x64xf32, #tpu.memory_space<vmem>>
    %dma_wait3A_197 = arith.constant 0 : i32
    %dma_wait3A_198 = tpu.memref_slice %arg5[%dma_wait3A_197] : memref<25600xi32, #tpu.memory_space<vmem>> -> memref<256xi32, #tpu.memory_space<vmem>>
    %dma_wait3A_199 = arith.constant 0 : i32
    %dma_wait3A_200 = arith.constant 0 : i32
    %dma_wait3A_201 = tpu.memref_slice %arg3[%dma_wait3A_199, %dma_wait3A_200] : memref<1000000x64xf32, #tpu.memory_space<hbm>> -> memref<1000000x64xf32, #tpu.memory_space<hbm>>
    tpu.wait_indirect_dma semaphore(%arg7 : memref<!tpu.dma_semaphore, #tpu.memory_space<semaphore_mem>>) src(%dma_wait3A_201 : memref<1000000x64xf32, #tpu.memory_space<hbm>>) dst(%dma_wait3A_196 : memref<256x64xf32, #tpu.memory_space<vmem>>)
    %add3A_202 = arith.constant 25344 : i32
    %add3A_203 = arith.addi %mul3A_2, %add3A_202 : i32
    %dma_start3A_204 = arith.constant 3 : i32
    %dma_start3A_205 = arith.constant 0 : i32
    %dma_start3A_206 = arith.constant 0 : i32
    %dma_start3A_207 = tpu.memref_slice %arg6[%dma_start3A_204, %dma_start3A_205, %dma_start3A_206] : memref<6x256x64xf32, #tpu.memory_space<vmem>> -> memref<1x256x64xf32, #tpu.memory_space<vmem>>
    %dma_start3A_208 = tpu.memref_squeeze %dma_start3A_207 : memref<1x256x64xf32, #tpu.memory_space<vmem>> -> memref<256x64xf32, #tpu.memory_space<vmem>>
    %dma_start3A_209 = arith.constant 0 : i32
    %dma_start3A_210 = tpu.memref_slice %arg4[%add3A_203, %dma_start3A_209] : memref<819200x64xf32, #tpu.memory_space<hbm>> -> memref<256x64xf32, #tpu.memory_space<hbm>>
    %dma_start3A_211 = arith.constant 0 : i32
    %dma_start3A_212 = tpu.memref_slice %arg4[%add3A_203, %dma_start3A_211] : memref<819200x64xf32, #tpu.memory_space<hbm>> -> memref<256x64xf32, #tpu.memory_space<hbm>>
    %dma_start3A_213 = arith.constant 0 : i32
    %dma_start3A_214 = arith.constant 0 : i32
    %dma_start3A_215 = tpu.memref_slice %arg6[%dma_start3A_204, %dma_start3A_213, %dma_start3A_214] : memref<6x256x64xf32, #tpu.memory_space<vmem>> -> memref<1x256x64xf32, #tpu.memory_space<vmem>>
    %dma_start3A_216 = tpu.memref_squeeze %dma_start3A_215 : memref<1x256x64xf32, #tpu.memory_space<vmem>> -> memref<256x64xf32, #tpu.memory_space<vmem>>
    tpu.enqueue_dma source(%dma_start3A_216 : memref<256x64xf32, #tpu.memory_space<vmem>>) target(%dma_start3A_212 : memref<256x64xf32, #tpu.memory_space<hbm>>) target_semaphore(%arg8 : memref<!tpu.dma_semaphore, #tpu.memory_space<semaphore_mem>>)
    %dma_wait3A_217 = arith.constant 4 : i32
    %dma_wait3A_218 = arith.constant 0 : i32
    %dma_wait3A_219 = arith.constant 0 : i32
    %dma_wait3A_220 = tpu.memref_slice %arg6[%dma_wait3A_217, %dma_wait3A_218, %dma_wait3A_219] : memref<6x256x64xf32, #tpu.memory_space<vmem>> -> memref<1x256x64xf32, #tpu.memory_space<vmem>>
    %dma_wait3A_221 = tpu.memref_squeeze %dma_wait3A_220 : memref<1x256x64xf32, #tpu.memory_space<vmem>> -> memref<256x64xf32, #tpu.memory_space<vmem>>
    %dma_wait3A_222 = arith.constant 0 : i32
    %dma_wait3A_223 = tpu.memref_slice %arg4[%mul3A_2, %dma_wait3A_222] : memref<819200x64xf32, #tpu.memory_space<hbm>> -> memref<256x64xf32, #tpu.memory_space<hbm>>
    %dma_wait3A_224 = arith.constant 0 : i32
    %dma_wait3A_225 = tpu.memref_slice %arg4[%mul3A_2, %dma_wait3A_224] : memref<819200x64xf32, #tpu.memory_space<hbm>> -> memref<256x64xf32, #tpu.memory_space<hbm>>
    %dma_wait3A_226 = arith.constant 0 : i32
    %dma_wait3A_227 = arith.constant 0 : i32
    %dma_wait3A_228 = tpu.memref_slice %arg6[%dma_wait3A_217, %dma_wait3A_226, %dma_wait3A_227] : memref<6x256x64xf32, #tpu.memory_space<vmem>> -> memref<1x256x64xf32, #tpu.memory_space<vmem>>
    %dma_wait3A_229 = tpu.memref_squeeze %dma_wait3A_228 : memref<1x256x64xf32, #tpu.memory_space<vmem>> -> memref<256x64xf32, #tpu.memory_space<vmem>>
    tpu.wait_dma2 semaphore(%arg8 : memref<!tpu.dma_semaphore, #tpu.memory_space<semaphore_mem>>) src(%dma_wait3A_229 : memref<256x64xf32, #tpu.memory_space<vmem>>) dst(%dma_wait3A_225 : memref<256x64xf32, #tpu.memory_space<hbm>>)
    %dma_wait3A_230 = arith.constant 5 : i32
    %dma_wait3A_231 = arith.constant 0 : i32
    %dma_wait3A_232 = arith.constant 0 : i32
    %dma_wait3A_233 = tpu.memref_slice %arg6[%dma_wait3A_230, %dma_wait3A_231, %dma_wait3A_232] : memref<6x256x64xf32, #tpu.memory_space<vmem>> -> memref<1x256x64xf32, #tpu.memory_space<vmem>>
    %dma_wait3A_234 = tpu.memref_squeeze %dma_wait3A_233 : memref<1x256x64xf32, #tpu.memory_space<vmem>> -> memref<256x64xf32, #tpu.memory_space<vmem>>
    %dma_wait3A_235 = arith.constant 0 : i32
    %dma_wait3A_236 = tpu.memref_slice %arg4[%mul3A_2, %dma_wait3A_235] : memref<819200x64xf32, #tpu.memory_space<hbm>> -> memref<256x64xf32, #tpu.memory_space<hbm>>
    %dma_wait3A_237 = arith.constant 0 : i32
    %dma_wait3A_238 = tpu.memref_slice %arg4[%mul3A_2, %dma_wait3A_237] : memref<819200x64xf32, #tpu.memory_space<hbm>> -> memref<256x64xf32, #tpu.memory_space<hbm>>
    %dma_wait3A_239 = arith.constant 0 : i32
    %dma_wait3A_240 = arith.constant 0 : i32
    %dma_wait3A_241 = tpu.memref_slice %arg6[%dma_wait3A_230, %dma_wait3A_239, %dma_wait3A_240] : memref<6x256x64xf32, #tpu.memory_space<vmem>> -> memref<1x256x64xf32, #tpu.memory_space<vmem>>
    %dma_wait3A_242 = tpu.memref_squeeze %dma_wait3A_241 : memref<1x256x64xf32, #tpu.memory_space<vmem>> -> memref<256x64xf32, #tpu.memory_space<vmem>>
    tpu.wait_dma2 semaphore(%arg8 : memref<!tpu.dma_semaphore, #tpu.memory_space<semaphore_mem>>) src(%dma_wait3A_242 : memref<256x64xf32, #tpu.memory_space<vmem>>) dst(%dma_wait3A_238 : memref<256x64xf32, #tpu.memory_space<hbm>>)
    %dma_wait3A_243 = arith.constant 0 : i32
    %dma_wait3A_244 = arith.constant 0 : i32
    %dma_wait3A_245 = arith.constant 0 : i32
    %dma_wait3A_246 = tpu.memref_slice %arg6[%dma_wait3A_243, %dma_wait3A_244, %dma_wait3A_245] : memref<6x256x64xf32, #tpu.memory_space<vmem>> -> memref<1x256x64xf32, #tpu.memory_space<vmem>>
    %dma_wait3A_247 = tpu.memref_squeeze %dma_wait3A_246 : memref<1x256x64xf32, #tpu.memory_space<vmem>> -> memref<256x64xf32, #tpu.memory_space<vmem>>
    %dma_wait3A_248 = arith.constant 0 : i32
    %dma_wait3A_249 = tpu.memref_slice %arg4[%mul3A_2, %dma_wait3A_248] : memref<819200x64xf32, #tpu.memory_space<hbm>> -> memref<256x64xf32, #tpu.memory_space<hbm>>
    %dma_wait3A_250 = arith.constant 0 : i32
    %dma_wait3A_251 = tpu.memref_slice %arg4[%mul3A_2, %dma_wait3A_250] : memref<819200x64xf32, #tpu.memory_space<hbm>> -> memref<256x64xf32, #tpu.memory_space<hbm>>
    %dma_wait3A_252 = arith.constant 0 : i32
    %dma_wait3A_253 = arith.constant 0 : i32
    %dma_wait3A_254 = tpu.memref_slice %arg6[%dma_wait3A_243, %dma_wait3A_252, %dma_wait3A_253] : memref<6x256x64xf32, #tpu.memory_space<vmem>> -> memref<1x256x64xf32, #tpu.memory_space<vmem>>
    %dma_wait3A_255 = tpu.memref_squeeze %dma_wait3A_254 : memref<1x256x64xf32, #tpu.memory_space<vmem>> -> memref<256x64xf32, #tpu.memory_space<vmem>>
    tpu.wait_dma2 semaphore(%arg8 : memref<!tpu.dma_semaphore, #tpu.memory_space<semaphore_mem>>) src(%dma_wait3A_255 : memref<256x64xf32, #tpu.memory_space<vmem>>) dst(%dma_wait3A_251 : memref<256x64xf32, #tpu.memory_space<hbm>>)
    %dma_wait3A_256 = arith.constant 1 : i32
    %dma_wait3A_257 = arith.constant 0 : i32
    %dma_wait3A_258 = arith.constant 0 : i32
    %dma_wait3A_259 = tpu.memref_slice %arg6[%dma_wait3A_256, %dma_wait3A_257, %dma_wait3A_258] : memref<6x256x64xf32, #tpu.memory_space<vmem>> -> memref<1x256x64xf32, #tpu.memory_space<vmem>>
    %dma_wait3A_260 = tpu.memref_squeeze %dma_wait3A_259 : memref<1x256x64xf32, #tpu.memory_space<vmem>> -> memref<256x64xf32, #tpu.memory_space<vmem>>
    %dma_wait3A_261 = arith.constant 0 : i32
    %dma_wait3A_262 = tpu.memref_slice %arg4[%mul3A_2, %dma_wait3A_261] : memref<819200x64xf32, #tpu.memory_space<hbm>> -> memref<256x64xf32, #tpu.memory_space<hbm>>
    %dma_wait3A_263 = arith.constant 0 : i32
    %dma_wait3A_264 = tpu.memref_slice %arg4[%mul3A_2, %dma_wait3A_263] : memref<819200x64xf32, #tpu.memory_space<hbm>> -> memref<256x64xf32, #tpu.memory_space<hbm>>
    %dma_wait3A_265 = arith.constant 0 : i32
    %dma_wait3A_266 = arith.constant 0 : i32
    %dma_wait3A_267 = tpu.memref_slice %arg6[%dma_wait3A_256, %dma_wait3A_265, %dma_wait3A_266] : memref<6x256x64xf32, #tpu.memory_space<vmem>> -> memref<1x256x64xf32, #tpu.memory_space<vmem>>
    %dma_wait3A_268 = tpu.memref_squeeze %dma_wait3A_267 : memref<1x256x64xf32, #tpu.memory_space<vmem>> -> memref<256x64xf32, #tpu.memory_space<vmem>>
    tpu.wait_dma2 semaphore(%arg8 : memref<!tpu.dma_semaphore, #tpu.memory_space<semaphore_mem>>) src(%dma_wait3A_268 : memref<256x64xf32, #tpu.memory_space<vmem>>) dst(%dma_wait3A_264 : memref<256x64xf32, #tpu.memory_space<hbm>>)
    %dma_wait3A_269 = arith.constant 2 : i32
    %dma_wait3A_270 = arith.constant 0 : i32
    %dma_wait3A_271 = arith.constant 0 : i32
    %dma_wait3A_272 = tpu.memref_slice %arg6[%dma_wait3A_269, %dma_wait3A_270, %dma_wait3A_271] : memref<6x256x64xf32, #tpu.memory_space<vmem>> -> memref<1x256x64xf32, #tpu.memory_space<vmem>>
    %dma_wait3A_273 = tpu.memref_squeeze %dma_wait3A_272 : memref<1x256x64xf32, #tpu.memory_space<vmem>> -> memref<256x64xf32, #tpu.memory_space<vmem>>
    %dma_wait3A_274 = arith.constant 0 : i32
    %dma_wait3A_275 = tpu.memref_slice %arg4[%mul3A_2, %dma_wait3A_274] : memref<819200x64xf32, #tpu.memory_space<hbm>> -> memref<256x64xf32, #tpu.memory_space<hbm>>
    %dma_wait3A_276 = arith.constant 0 : i32
    %dma_wait3A_277 = tpu.memref_slice %arg4[%mul3A_2, %dma_wait3A_276] : memref<819200x64xf32, #tpu.memory_space<hbm>> -> memref<256x64xf32, #tpu.memory_space<hbm>>
    %dma_wait3A_278 = arith.constant 0 : i32
    %dma_wait3A_279 = arith.constant 0 : i32
    %dma_wait3A_280 = tpu.memref_slice %arg6[%dma_wait3A_269, %dma_wait3A_278, %dma_wait3A_279] : memref<6x256x64xf32, #tpu.memory_space<vmem>> -> memref<1x256x64xf32, #tpu.memory_space<vmem>>
    %dma_wait3A_281 = tpu.memref_squeeze %dma_wait3A_280 : memref<1x256x64xf32, #tpu.memory_space<vmem>> -> memref<256x64xf32, #tpu.memory_space<vmem>>
    tpu.wait_dma2 semaphore(%arg8 : memref<!tpu.dma_semaphore, #tpu.memory_space<semaphore_mem>>) src(%dma_wait3A_281 : memref<256x64xf32, #tpu.memory_space<vmem>>) dst(%dma_wait3A_277 : memref<256x64xf32, #tpu.memory_space<hbm>>)
    %dma_wait3A_282 = arith.constant 3 : i32
    %dma_wait3A_283 = arith.constant 0 : i32
    %dma_wait3A_284 = arith.constant 0 : i32
    %dma_wait3A_285 = tpu.memref_slice %arg6[%dma_wait3A_282, %dma_wait3A_283, %dma_wait3A_284] : memref<6x256x64xf32, #tpu.memory_space<vmem>> -> memref<1x256x64xf32, #tpu.memory_space<vmem>>
    %dma_wait3A_286 = tpu.memref_squeeze %dma_wait3A_285 : memref<1x256x64xf32, #tpu.memory_space<vmem>> -> memref<256x64xf32, #tpu.memory_space<vmem>>
    %dma_wait3A_287 = arith.constant 0 : i32
    %dma_wait3A_288 = tpu.memref_slice %arg4[%mul3A_2, %dma_wait3A_287] : memref<819200x64xf32, #tpu.memory_space<hbm>> -> memref<256x64xf32, #tpu.memory_space<hbm>>
    %dma_wait3A_289 = arith.constant 0 : i32
    %dma_wait3A_290 = tpu.memref_slice %arg4[%mul3A_2, %dma_wait3A_289] : memref<819200x64xf32, #tpu.memory_space<hbm>> -> memref<256x64xf32, #tpu.memory_space<hbm>>
    %dma_wait3A_291 = arith.constant 0 : i32
    %dma_wait3A_292 = arith.constant 0 : i32
    %dma_wait3A_293 = tpu.memref_slice %arg6[%dma_wait3A_282, %dma_wait3A_291, %dma_wait3A_292] : memref<6x256x64xf32, #tpu.memory_space<vmem>> -> memref<1x256x64xf32, #tpu.memory_space<vmem>>
    %dma_wait3A_294 = tpu.memref_squeeze %dma_wait3A_293 : memref<1x256x64xf32, #tpu.memory_space<vmem>> -> memref<256x64xf32, #tpu.memory_space<vmem>>
    tpu.wait_dma2 semaphore(%arg8 : memref<!tpu.dma_semaphore, #tpu.memory_space<semaphore_mem>>) src(%dma_wait3A_294 : memref<256x64xf32, #tpu.memory_space<vmem>>) dst(%dma_wait3A_290 : memref<256x64xf32, #tpu.memory_space<hbm>>)
    return
  }
}

</mosaic_0001>

<sc_bundles>
// kernel: _embed_lookup.3.cloned.1.call-start
scs
__scs_entry_jumppad:
0x0: {  	(pc) =	sbr.rel $0x88, $3  }
0x1: {  	(tag) =	ssettag $0x0;
	lr =	simm.s32 $0x1  }
0x2: {  	[smem:$0x3F9F] =	sst lr;
	_ =	strace $0xD0000000  }
0x3: {  	_ = 	snop  }
0x4: {  	_ = 	snop  }
0x5: {  	_ = 	snop  }
0x6: {  	_ = 	snop  }
0x7: {  	_ = 	snop  }
__scs_overlays_trampoline_lowered:
0x8: {  	[smem:$0x3FAE] =	sst s0  }
0x9: {  	[smem:$0x3FAF] =	sst s1  }
0xa: {  	[smem:$0x3FB0] =	sst s2  }
0xb: {  	[smem:$0x3FB1] =	sst s3  }
0xc: {  	[smem:$0x3FB2] =	sst s4  }
0xd: {  	[smem:$0x3FB3] =	sst s5  }
0xe: {  	[smem:$0x3FB4] =	sst s6  }
0xf: {  	[smem:$0x3FB5] =	sst s7  }
0x10: {  	[smem:$0x3FB6] =	sst s8  }
0x11: {  	[smem:$0x3FB7] =	sst s9;
	s0 =	simm.s32 @!p0 $0x0  }
0x12: {  	s1 =	sld [smem:$0x3F9D];
	s0 =	simm.s32 @p0 $0x1  }
0x13: {  	[smem:$0x3FB8] =	sst s0;
	s0 =	simm.s32 @!p1 $0x0  }
0x14: {  	s2 =	sld [smem:$0x3F9C];
	s0 =	simm.s32 @p1 $0x1  }
0x15: {  	[smem:$0x3FB9] =	sst s0;
	s0 =	simm.s32 @!p2 $0x0  }
0x16: {  	s3 =	sld [smem:$0x3FDB];
	s0 =	simm.s32 @p2 $0x1  }
0x17: {  	s4 =	simm.s32 $0x1BF5;
	[smem:$0x3FBB] =	sst s0  }
0x18: {  	s0 =	sld [smem:$0x3F9E];
	_ =	swait.ge [sflag:s4], $0x0  }
0x19: {  	s7 =	sld [smem:$0x3F9F]  }
0x1a: {  	s8 =	sadd.s32 $0xFFFFE003, lr  }
0x1b: {  	s9 =	sadd.s32 $0xFFFFFEF7, lr;
	s5 =	simm.s32 $0xFFFFFFFF;
	p2 =	slt.u32 s8, $0xFFFFF086  }
0x1c: {  	p1 =	slt.u32 s9, $0xF7A;
	s5 =	simm.s32 @!p2 $0x0  }
0x1d: {  	s5 =	simm.s32 @p1 $0x1;
	p0 =	seq.s32 s7, s2  }
0x1e: {  	s7 =	smul.u32 @!p0 $0xF7A, s2;
	p2 =	seq.s32 @!p0 s5, $0x0  }
0x1f: {  	s9 =	smul.u32 $0xF7A, s1;
	s8 =	simm.s32 @!p0 $0x1BF5;
	p2 =	por !p2, p0  }
0x20: {  	[sflag:s8] =	ssyncset.s32 @!p0 $0xFFFFF086;
	s6 =	sadd.s32 @!p0 s3, s7;
	s7 =	simm.s32 @!p0 $0x108  }
0x21: {  	s3 =	sadd.s32 s3, s9;
	s6 =	sadd.s32 @!p0 $0x88, s6;
	s7 =	simm.s32 @p2 $0x1082  }
0x22: {  	[simem:s7], [sflag:s8] =	dma.local @!p0 [hbm:s6], $0xF7A  }
0x23: {  	s9 =	sor.u32 $0xD0000000, s2;
	s6 =	simm.s32 $0x108;
	_ =	swait.ge @!p0 [sflag:s8], $0x0  }
0x24: {  	s3 =	sadd.s32 $0x88, s3;
	s6 =	simm.s32 @!p1 $0x1082;
	[sflag:s4] =	ssyncset.s32 $0xFFFFF086  }
0x25: {  	[simem:s6], [sflag:s4] =	dma.local [hbm:s3], $0xF7A  }
0x26: {  	[smem:$0x3F9F] =	sst s1;
	(tag) =	ssettag s2;
	_ =	strace s9  }
0x27: {  	s1 =	sld [smem:$0x3FAF]  }
0x28: {  	s2 =	sld [smem:$0x3FB0]  }
0x29: {  	s4 =	sld [smem:$0x3FB2]  }
0x2a: {  	p0 =	seq.s32 s5, $0x0;
	s5 =	sld [smem:$0x3FB3]  }
0x2b: {  	s6 =	sld [smem:$0x3FB4]  }
0x2c: {  	s7 =	sld [smem:$0x3FB5]  }
0x2d: {  	s3 =	simm.s32 $0x108;
	s8 =	sld [smem:$0x3FB6]  }
0x2e: {  	s3 =	simm.s32 @!p0 $0x1082;
	s9 =	sld [smem:$0x3FB7]  }
0x2f: {  	lr =	sadd.s32 s0, s3;
	s0 =	sld [smem:$0x3FAE]  }
0x30: {  	s3 =	sld [smem:$0x3FB1]  }
0x31: {  	[smem:$0x3FBA] =	sst s10  }
0x32: {  	s10 =	sld [smem:$0x3FB8];
	_ =	sdelay $0x3  }
0x33: {  	p0 =	seq.s32 s10, $0x1;
	s10 =	sld [smem:$0x3FBA];
	_ =	sdelay $0x3  }
0x34: {  	[smem:$0x3FBA] =	sst s10  }
0x35: {  	s10 =	sld [smem:$0x3FB9];
	_ =	sdelay $0x3  }
0x36: {  	p1 =	seq.s32 s10, $0x1;
	s10 =	sld [smem:$0x3FBA];
	_ =	sdelay $0x3  }
0x37: {  	[smem:$0x3FBA] =	sst s10  }
0x38: {  	s10 =	sld [smem:$0x3FBB]  }
0x39: {  	_ = 	snop;
	(pc) =	sbr.ind lr, $3  }
0x3a: {  	_ = 	snop  }
0x3b: {  	_ = 	snop  }
0x3c: {  	p2 =	seq.s32 s10, $0x1;
	s10 =	sld [smem:$0x3FBA]  }
0x3d: {  	_ =	shalt  }
0x3e: {  	_ =	shalt  }
0x3f: {  	_ =	shalt  }
0x40: {  	_ =	shalt  }
0x41: {  	_ =	shalt  }
0x42: {  	_ =	shalt  }
0x43: {  	_ =	shalt  }
0x44: {  	_ =	shalt  }
0x45: {  	_ =	shalt  }
0x46: {  	_ =	shalt  }
0x47: {  	_ =	shalt  }
0x48: {  	_ =	shalt  }
0x49: {  	_ =	shalt  }
0x4a: {  	_ =	shalt  }
0x4b: {  	_ =	shalt  }
0x4c: {  	_ =	shalt  }
0x4d: {  	_ =	shalt  }
0x4e: {  	_ =	shalt  }
0x4f: {  	_ =	shalt  }
0x50: {  	_ =	shalt  }
0x51: {  	_ =	shalt  }
0x52: {  	_ =	shalt  }
0x53: {  	_ =	shalt  }
0x54: {  	_ =	shalt  }
0x55: {  	_ =	shalt  }
0x56: {  	_ =	shalt  }
0x57: {  	_ =	shalt  }
0x58: {  	_ =	shalt  }
0x59: {  	_ =	shalt  }
0x5a: {  	_ =	shalt  }
0x5b: {  	_ =	shalt  }
0x5c: {  	_ =	shalt  }
0x5d: {  	_ =	shalt  }
0x5e: {  	_ =	shalt  }
0x5f: {  	_ =	shalt  }
0x60: {  	_ =	shalt  }
0x61: {  	_ =	shalt  }
0x62: {  	_ =	shalt  }
0x63: {  	_ =	shalt  }
0x64: {  	_ =	shalt  }
0x65: {  	_ =	shalt  }
0x66: {  	_ =	shalt  }
0x67: {  	_ =	shalt  }
0x68: {  	_ =	shalt  }
0x69: {  	_ =	shalt  }
0x6a: {  	_ =	shalt  }
0x6b: {  	_ =	shalt  }
0x6c: {  	_ =	shalt  }
0x6d: {  	_ =	shalt  }
0x6e: {  	_ =	shalt  }
0x6f: {  	_ =	shalt  }
0x70: {  	_ =	shalt  }
0x71: {  	_ =	shalt  }
0x72: {  	_ =	shalt  }
0x73: {  	_ =	shalt  }
0x74: {  	_ =	shalt  }
0x75: {  	_ =	shalt  }
0x76: {  	_ =	shalt  }
0x77: {  	_ =	shalt  }
0x78: {  	_ =	shalt  }
0x79: {  	_ =	shalt  }
0x7a: {  	_ =	shalt  }
0x7b: {  	_ =	shalt  }
0x7c: {  	_ =	shalt  }
0x7d: {  	_ =	shalt  }
0x7e: {  	_ =	shalt  }
0x7f: {  	_ =	shalt  }
0x80: {  	_ =	shalt  }
0x81: {  	_ =	shalt  }
0x82: {  	_ =	shalt  }
0x83: {  	_ =	shalt  }
0x84: {  	_ =	shalt  }
0x85: {  	_ =	shalt  }
0x86: {  	_ =	shalt  }
0x87: {  	_ =	shalt  }
.Lfunc_end0:
.L_simem_size_0:
called_computation.1_lowered:
.L_overlay_start_0:
0x88: {  	s2 =	sld [smem:$0x3FD9]  }
0x89: {  	s3 =	sld [smem:$0x3FFE];
	_ =	sdelay $0x1  }
0x8a: {  	s1 =	srdreg.scid  }
0x8b: {  	s0 =	sand.u32 $0x1, s1  }
0x8c: {  	s17 =	sshll.u32 s0, $0xA;
	s2 =	sadd.s32 s3, s2  }
0x8d: {  	s2 =	sadd.s32 s2, s17  }
0x8e: {  	[smem:$0x3FC6] =	sst s2  }
0x8f: {  	_ = 	snop  }
0x90: {  	s2 =	sld [smem:$0x3FC9]  }
0x91: {  	s18 =	sld [smem:$0x3FD0];
	(tm) =	ssettm $0x1  }
0x92: {  	s4 =	sld [smem:$0x3FFB];
	_ =	sdelay $0x3  }
0x93: {  	_ =	strace s4  }
0x94: {  	s4 =	sld [smem:$0x3FFC];
	_ =	sdelay $0x3  }
0x95: {  	_ =	strace s4  }
0x96: {  	s4 =	sld [smem:$0x3FFD];
	_ =	sdelay $0x3  }
0x97: {  	_ =	strace s4  }
0x98: {  	_ =	strace $0x8FFFFFFF  }
0x99: {  	s19 =	sld [smem:$0x3FDB];
	_ =	sdelay $0x1  }
0x9a: {  	s5 =	simm.s32 $_scs_section_size  }
0x9b: {  	s6 =	simm.s32 $_size__tile_overlayer_lowered;
	s7 =	simm.s32 $_tile_overlayer_lowered  }
0x9c: {  	s22 =	simm.s32 $0x1BFF;
	s21 =	sshll.u32 s7, $0x1;
	s4 =	sadd.s32 s5, s19  }
0x9d: {  	s8 =	simm.s32 $0x0;
	s20 =	sshll.u32 s6, $0x1;
	s6 =	sadd.s32 s21, s4  }
0x9e: {  	[timem:s8], [sflag:s22] =	dma.local [hbm:s6], s20  }
0x9f: {  	_ =	swait.ge [sflag:s22], s20  }
0xa0: {  	s5 =	ssub.s32 $0x0, s20;
	[sflag:s22] =	ssyncset.done $0x0  }
0xa1: {  	[sflag:s22] =	ssyncadd.s32 s5;
	_ =	sdelay $0x1  }
0xa2: {  	s23 =	simm.s32 $0x1B8B  }
0xa3: {  	_ =	swait.ge [sflag:s23], $0x1  }
0xa4: {  	[sflag:s23] =	ssyncset.done $0x0  }
0xa5: {  	s25 =	simm.s32 $0x1B8E;
	s24 =	sld [smem:$0x3FFE];
	[sflag:s23] =	ssyncadd.s32 $0xFFFFFFFF  }
0xa6: {  	s26 =	simm.s32 $execute0_lowered;
	[smem:$0x3FD2] =	sst s25  }
0xa7: {  	s6 =	sshll.u32 s26, $0x1;
	_ =	strace $0x80000046;
	[dreg:$0x1] =	wrdreg $0xFFFFFFFF  }
0xa8: {  	s28 =	simm.s32 $_size_execute0_lowered;
	s4 =	sadd.s32 s4, s6;
	[dreg:$0x0] =	wrdreg $0x0  }
0xa9: {  	s6 =	sshll.u32 s28, $0x1;
	[dreg:$0x2] =	wrdreg s4  }
0xaa: {  	[dreg:$0x3] =	wrdreg s6  }
0xab: {  	[dreg:$0x4] =	wrdreg $0xC0  }
0xac: {  	_ =	task [dreg:s8], $0x5FFFF  }
0xad: {  	[dreg:$0x1] =	wrdreg $0xFFFFFFFF  }
0xae: {  	[dreg:$0x0] =	wrdreg $0x60  }
0xaf: {  	[dreg:$0x2] =	wrdreg s2  }
0xb0: {  	[dreg:$0x3] =	wrdreg s24  }
0xb1: {  	[dreg:$0x4] =	wrdreg s18  }
0xb2: {  	[dreg:$0x5] =	wrdreg $0x9  }
0xb3: {  	_ =	task.clear_ibuf [dreg:s8], $0x6FFFF;
	_ =	strace $0x90000046  }
0xb4: {  	s29 =	simm.s32 $0x9;
	_ =	strace $0x80000048  }
0xb5: {  	_ =	swait.ge [sflag:s29], $0x1  }
0xb6: {  	[sflag:s29] =	ssyncadd.s32 $0xFFFFFFFF  }
0xb7: {  	_ =	strace $0x90000048  }
0xb8: {  	_ =	sfence  }
0xb9: {  	s30 =	sld [smem:$0x0];
	_ =	sdelay $0x2  }
0xba: {  	s31 =	sshll.u32 s1, $0xD;
	s1 =	sshrl.u32 s1, $0x2  }
0xbb: {  	s3 =	sand.u32 $0x4000, s31;
	s1 =	sadd.s32 s1, s30  }
0xbc: {  	s0 =	sor.u32 s3, s0;
	s1 =	sshll.u32 s1, $0x11  }
0xbd: {  	s0 =	sor.u32 s1, s0  }
0xbe: {  	s0 =	sadd.s32 $0x8F2B, s0  }
0xbf: {  	[sflag:s0] =	ssyncadd.remote.s32 $0x1  }
0xc0: {  	_ =	sfence.sel $0xFFFF  }
0xc1: {  	[dreg:$0x0] =	wrdreg $0xFFFFFFFF;
	(pc) =	sbr.abs _section_cstart, $3  }
0xc2: {  	[dreg:$0x1] =	wrdreg $0xFFFFFFFF  }
0xc3: {  	_ =	task.clear_ibuf [dreg:s8], $0x2FFFF;
	_ =	strace $0x9FFFFFFF  }
0xc4: {  	(tm) =	ssettm $0x7FFFFFFF  }
0xc5: {  	_ =	shalt  }
tec
execute0_lowered:
.L_overlay_start_1:
0x0: {  	(tag) =	ssettag $0x1  }
0x1: {  	s0 =	rddreg [dreg:$0x0]  }
0x2: {  	s1 =	srdreg.scid;
	s3 =	rddreg [dreg:$0x1]  }
0x3: {  	s9 =	stileid.u32;
	s12 =	rddreg [dreg:$0x2]  }
0x4: {  	s13 =	simm.s32 $0x100;
	s14 =	simm.s32 $0x6400;
	s15 =	simm.s32 $0xA400  }
0x5: {  	s17 =	simm.s32 $0xE400;
	s19 =	simm.s32 $0x12400;
	s24 =	simm.s32 $0x1  }
0x6: {  	s1 =	sand.u32 $0x1, s1;
	s2 =	sshll.u32 s9, $0x1;
	s9 =	smul.u32 $0x320000, s9  }
0x7: {  	s4 =	sor.u32 s1, s2;
	s7 =	ssub.s32 $0x2, s1;
	s1 =	smul.u32 $0x190000, s1  }
0x8: {  	s25 =	simm.s32 $0x2;
	s26 =	simm.s32 $0x0;
	s5 =	smul.u32 $0xC80, s4  }
0x9: {  	s3 =	sadd.s32 $0xF42C00, s3;
	s2 =	simm.s32 $0x0;
	s6 =	smul.u32 $0x32000, s4  }
0xa: {  	[smem:$0x7FF] =	sst s2;
	s8 =	smul.u32 $0x190000, s4;
	s28 =	sshrl.u32 s7, $0x1  }
0xb: {  	_ =	strace $0x80000047;
	s11 =	ssub.s32 s7, s28;
	s1 =	sadd.s32 s1, s9  }
0xc: {  	s4 =	sadd.s32 s12, s6;
	s0 =	sadd.s32 s0, s5;
	s30 =	sshrl.u32 s8, $0x3  }
0xd: {  	s1 =	sor.u32 $0xC000, s1;
	s11 =	smax.u32 s11, $0x1;
	[dreg:$0x4] =	wrdreg s0  }
0xe: {  	s29 =	sadd.s32 $0x800, s4;
	s7 =	sadd.s32 $0x1000, s4;
	s0 =	sadd.s32 s12, s30  }
0xf: {  	s31 =	sshrl.u32 s1, $0x3;
	[dreg:$0x5] =	wrdreg s29;
	s8 =	sadd.s32 $0x30800, s0  }
0x10: {  	s9 =	sadd.s32 $0x31000, s0;
	s10 =	sadd.s32 $0x31800, s0;
	s0 =	sadd.s32 s31, s12  }
.LBB2_1:
0x11: {  	s1 =	rddreg [dreg:$0x4];
	s12 =	simm.s32 $0x3  }
0x12: {  	[tilespmem:s2], [sflag:$0x3] =	stream.linear.gather [hbm4b:s1+s2], $0x6400, $0x38;
	[tilespmem:$0x1E400] =	vst v63  }
0x13: {  	_ =	swait.ge [sflag:s12], $0x6400  }
0x14: {  	[sflag:s12] =	ssyncset.done $0x0  }
0x15: {  	[sflag:s12] =	ssyncadd.s32 $0xFFFF9C00  }
0x16: {  	[tilespmem:s14], [sflag:$0x1] =	stream.indirect.gather [hbm4b:s3+s13], $0x40, s2, s13, $0xb8;
	[tilespmem:$0x1E400] =	vst v63  }
0x17: {  	_ = 	snop  }
0x18: {  	[tilespmem:s15], [sflag:$0x1] =	stream.indirect.gather [hbm4b:s3+s13], $0x40, s13, s13, $0xb8;
	[tilespmem:$0x1E400] =	vst v63  }
0x19: {  	s5 =	simm.s32 $0x200  }
0x1a: {  	[tilespmem:s17], [sflag:$0x1] =	stream.indirect.gather [hbm4b:s3+s13], $0x40, s5, s13, $0xb8;
	[tilespmem:$0x1E400] =	vst v63  }
0x1b: {  	s16 =	simm.s32 $0x300;
	s18 =	simm.s32 $0x400  }
0x1c: {  	[tilespmem:s19], [sflag:$0x1] =	stream.indirect.gather [hbm4b:s3+s13], $0x40, s16, s13, $0xb8;
	[tilespmem:$0x1E400] =	vst v63  }
0x1d: {  	s6 =	simm.s32 $0x16400;
	s20 =	simm.s32 $0x500;
	s1 =	smul.u32 $0xAB, s12  }
0x1e: {  	[tilespmem:s6], [sflag:$0x1] =	stream.indirect.gather [hbm4b:s3+s13], $0x40, s18, s13, $0xb8;
	[tilespmem:$0x1E400] =	vst v63  }
0x1f: {  	s21 =	simm.s32 $0x1A400;
	s29 =	simm.s32 $0x600;
	s1 =	sshrl.u32 s1, $0xA  }
0x20: {  	[tilespmem:s21], [sflag:$0x1] =	stream.indirect.gather [hbm4b:s3+s13], $0x40, s20, s13, $0xb8;
	[tilespmem:$0x1E400] =	vst v63  }
0x21: {  	s31 =	simm.s32 $0x4;
	s1 =	sand.u32 $0x3F, s1;
	_ =	swait.ge [sflag:s24], $0x4000  }
0x22: {  	s12 =	simm.s32 $0x0;
	s1 =	smul.u32 $0x6, s1;
	[sflag:s24] =	ssyncset.done $0x0  }
0x23: {  	s30 =	sadd.s32 $0x800, s0;
	s12 =	smul.u32 $0x2B, s12;
	[sflag:s24] =	ssyncadd.s32 $0xFFFFC000  }
0x24: {  	[hbm4b:s4+s2] =	stream.linear.scatter [tilespmem:s14], [sflag:$0x2], $0x4000, $0x38;
	[tilespmem:$0x1E400] =	vst v63  }
0x25: {  	s28 =	simm.s32 $0x700;
	s23 =	smul.u32 $0xAB, s31;
	_ =	swait.ge [sflag:s24], $0x4000  }
0x26: {  	s1 =	ssub.s32 $0x3, s1;
	s16 =	sshrl.u32 s12, $0x1F;
	[sflag:s24] =	ssyncset.done $0x0  }
0x27: {  	s12 =	sshrl.u32 s12, $0x8;
	s22 =	rddreg [dreg:$0x5];
	[sflag:s24] =	ssyncadd.s32 $0xFFFFC000  }
0x28: {  	[hbm4b:s22+s2] =	stream.linear.scatter [tilespmem:s15], [sflag:$0x2], $0x4000, $0x38;
	[tilespmem:$0x1E400] =	vst v63  }
0x29: {  	s1 =	sand.u32 $0xFF, s1;
	s12 =	sadd.s32 s16, s12;
	_ =	swait.ge [sflag:s24], $0x4000  }
0x2a: {  	s1 =	sshll.u32 s1, $0xE;
	s12 =	smul.u32 $0x6, s12;
	[sflag:s24] =	ssyncset.done $0x0  }
0x2b: {  	s18 =	sadd.s32 $0x6400, s1;
	s1 =	simm.s32 $0x1;
	[sflag:s24] =	ssyncadd.s32 $0xFFFFC000  }
0x2c: {  	[hbm4b:s7+s2] =	stream.linear.scatter [tilespmem:s17], [sflag:$0x2], $0x4000, $0x38;
	[tilespmem:$0x1E400] =	vst v63  }
0x2d: {  	s20 =	simm.s32 $0x5;
	s12 =	ssub.s32 $0x0, s12;
	_ =	swait.ge [sflag:s24], $0x4000  }
0x2e: {  	s21 =	sshrl.u32 s23, $0xA;
	s12 =	sshll.u32 s12, $0x18;
	[sflag:s24] =	ssyncset.done $0x0  }
0x2f: {  	s16 =	sshra.s32 s12, $0x18;
	s12 =	smov.u32 s0;
	[sflag:s24] =	ssyncadd.s32 $0xFFFFC000  }
.LBB2_2:
0x30: {  	s21 =	sand.u32 $0x3F, s21;
	s22 =	sshll.u32 s1, $0x18;
	s23 =	smov.u32 s20  }
0x31: {  	s5 =	sadd.s32 $0x1, s20;
	s6 =	smov.u32 s29;
	s29 =	smov.u32 s28  }
0x32: {  	p0 =	sne.s32 s20, $0x60;
	s20 =	smul.u32 $0x6, s21;
	s21 =	sshra.s32 s22, $0x18  }
0x33: {  	[hbm4b:s12+s2] =	stream.linear.scatter [tilespmem:s18], [sflag:$0x2], $0x4000, $0x38;
	[tilespmem:$0x1E400] =	vst v63  }
0x34: {  	s18 =	smul.u32 $0x2B, s21;
	s12 =	ssub.s32 s31, s20;
	_ =	swait.ge [sflag:s25], $0x4000  }
0x35: {  	s16 =	sshll.u32 s16, $0x10;
	s31 =	smov.u32 s23;
	[sflag:s25] =	ssyncset.done $0x0  }
0x36: {  	s12 =	sand.u32 $0xFF, s12;
	s20 =	sshrl.u32 s18, $0x1F;
	[sflag:s25] =	ssyncadd.s32 $0xFFFFC000  }
0x37: {  	s16 =	sshra.s32 s16, $0x2;
	s21 =	sshll.u32 s12, $0xE;
	s12 =	sshrl.u32 s18, $0x8  }
0x38: {  	s16 =	sadd.s32 $0x6400, s16;
	s18 =	sadd.s32 s20, s12;
	s12 =	smov.u32 s30  }
0x39: {  	[tilespmem:s16], [sflag:$0x1] =	stream.indirect.gather [hbm4b:s3+s13], $0x40, s6, s13, $0xb8;
	[tilespmem:$0x1E400] =	vst v63  }
0x3a: {  	s6 =	smul.u32 $0x6, s18  }
.Ltmp0:
0x3b: {  	s28 =	sadd.s32 $0x100, s28;
	(pc) =	sbr.rel @p0 .LBB2_2-.Ltmp0, $4  }
0x3c: {  	s30 =	sadd.s32 $0x800, s30;
	s20 =	smov.u32 s5;
	_ =	swait.ge [sflag:s24], $0x4000  }
0x3d: {  	s16 =	smul.u32 $0xAB, s31;
	s1 =	ssub.s32 s1, s6;
	[sflag:s24] =	ssyncset.done $0x0  }
0x3e: {  	s18 =	sadd.s32 $0x6400, s21;
	s6 =	sshll.u32 s1, $0x18;
	[sflag:s24] =	ssyncadd.s32 $0xFFFFC000  }
0x3f: {  	s21 =	sshrl.u32 s16, $0xA;
	s1 =	sadd.s32 $0xFFFFFFFD, s31;
	s16 =	sshra.s32 s6, $0x18  }
0x40: {  	s6 =	sshll.u32 s1, $0x18  }
0x41: {  	[hbm4b:s12+s2] =	stream.linear.scatter [tilespmem:s18], [sflag:$0x2], $0x4000, $0x38;
	[tilespmem:$0x1E400] =	vst v63  }
0x42: {  	s5 =	sand.u32 $0x3F, s21;
	s22 =	sshll.u32 s16, $0x10;
	s6 =	sshra.s32 s6, $0x18  }
0x43: {  	_ =	swait.ge [sflag:s25], $0x4000;
	s12 =	sshra.s32 s22, $0x2;
	s6 =	smul.u32 $0x2B, s6  }
0x44: {  	s5 =	smul.u32 $0x6, s5;
	[sflag:s25] =	ssyncset.done $0x0;
	s12 =	sadd.s32 $0x6400, s12  }
0x45: {  	[sflag:s25] =	ssyncadd.s32 $0xFFFFC000;
	s23 =	sshrl.u32 s6, $0x1F;
	s6 =	sshrl.u32 s6, $0x8  }
0x46: {  	[tilespmem:s12], [sflag:$0x1] =	stream.indirect.gather [hbm4b:s3+s13], $0x40, s29, s13, $0xb8;
	[tilespmem:$0x1E400] =	vst v63  }
0x47: {  	s5 =	ssub.s32 s31, s5;
	s6 =	sadd.s32 s23, s6  }
0x48: {  	s5 =	sand.u32 $0xFF, s5;
	_ =	swait.ge [sflag:s24], $0x4000;
	s6 =	smul.u32 $0x6, s6  }
0x49: {  	s5 =	sshll.u32 s5, $0xE;
	[sflag:s24] =	ssyncset.done $0x0  }
0x4a: {  	s5 =	sadd.s32 $0x6400, s5;
	[sflag:s24] =	ssyncadd.s32 $0xFFFFC000;
	s31 =	ssub.s32 s1, s6  }
0x4b: {  	[hbm4b:s30+s2] =	stream.linear.scatter [tilespmem:s5], [sflag:$0x2], $0x4000, $0x38;
	[tilespmem:$0x1E400] =	vst v63  }
0x4c: {  	s1 =	sshll.u32 s31, $0x18  }
0x4d: {  	s1 =	sshra.s32 s1, $0x18  }
0x4e: {  	_ =	swait.ge [sflag:s25], $0x4000;
	s1 =	sshll.u32 s1, $0x10  }
0x4f: {  	[sflag:s25] =	ssyncset.done $0x0;
	s1 =	sshra.s32 s1, $0x2  }
0x50: {  	[sflag:s25] =	ssyncadd.s32 $0xFFFFC000;
	s1 =	sadd.s32 $0x6400, s1  }
0x51: {  	[tilespmem:s1], [sflag:$0x1] =	stream.indirect.gather [hbm4b:s3+s13], $0x40, s28, s13, $0xb8;
	[tilespmem:$0x1E400] =	vst v63  }
0x52: {  	_ =	swait.ge [sflag:s24], $0x4000  }
0x53: {  	[sflag:s24] =	ssyncset.done $0x0  }
0x54: {  	[sflag:s24] =	ssyncadd.s32 $0xFFFFC000  }
0x55: {  	[hbm4b:s8+s2] =	stream.linear.scatter [tilespmem:s15], [sflag:$0x2], $0x4000, $0x38;
	[tilespmem:$0x1E400] =	vst v63  }
0x56: {  	_ =	swait.ge [sflag:s24], $0x4000  }
0x57: {  	[sflag:s24] =	ssyncset.done $0x0  }
0x58: {  	[sflag:s24] =	ssyncadd.s32 $0xFFFFC000  }
0x59: {  	[hbm4b:s9+s2] =	stream.linear.scatter [tilespmem:s17], [sflag:$0x2], $0x4000, $0x38;
	[tilespmem:$0x1E400] =	vst v63  }
0x5a: {  	_ =	swait.ge [sflag:s24], $0x4000  }
0x5b: {  	[sflag:s24] =	ssyncset.done $0x0  }
0x5c: {  	[sflag:s24] =	ssyncadd.s32 $0xFFFFC000  }
0x5d: {  	[hbm4b:s10+s2] =	stream.linear.scatter [tilespmem:s19], [sflag:$0x2], $0x4000, $0x38;
	[tilespmem:$0x1E400] =	vst v63  }
0x5e: {  	_ =	swait.ge [sflag:s25], $0x4000  }
0x5f: {  	[sflag:s25] =	ssyncset.done $0x0  }
0x60: {  	[sflag:s25] =	ssyncadd.s32 $0xFFFFC000  }
0x61: {  	_ =	swait.ge [sflag:s25], $0x4000  }
0x62: {  	[sflag:s25] =	ssyncset.done $0x0  }
0x63: {  	[sflag:s25] =	ssyncadd.s32 $0xFFFFC000  }
0x64: {  	_ =	swait.ge [sflag:s25], $0x4000  }
0x65: {  	[sflag:s25] =	ssyncset.done $0x0  }
0x66: {  	[sflag:s25] =	ssyncadd.s32 $0xFFFFC000  }
0x67: {  	_ =	swait.ge [sflag:s25], $0x4000  }
0x68: {  	[sflag:s25] =	ssyncset.done $0x0  }
0x69: {  	s26 =	sadd.s32 $0x1, s26;
	[sflag:s25] =	ssyncadd.s32 $0xFFFFC000  }
0x6a: {  	p0 =	sne.s32 s26, s11;
	_ =	swait.ge [sflag:s25], $0x4000  }
.Ltmp1:
0x6b: {  	[sflag:s25] =	ssyncset.done $0x0;
	(pc) =	sbr.rel @p0 .LBB2_1-.Ltmp1, $4  }
0x6c: {  	[sflag:s25] =	ssyncadd.s32 $0xFFFFC000  }
0x6d: {  	_ =	swait.ge [sflag:s25], $0x4000  }
0x6e: {  	[sflag:s25] =	ssyncset.done $0x0  }
0x6f: {  	[sflag:s25] =	ssyncadd.s32 $0xFFFFC000  }
0x70: {  	_ =	sfence.sel $0x180000  }
0x71: {  	[bflag:$0x0] =	sbarrier.arrive $0xFFFF  }
0x72: {  	_ =	strace $0x90000047  }
0x73: {  	s0 =	stileid.u32;
	[bflag:$0x2] =	sbarrier.arrive $0xFFFF  }
0x74: {  	p0 =	sne.s32 s0, $0x0;
	s0 =	rddreg [dreg:$0x3]  }
0x75: {  	s0 =	sadd.s32 @!p0 $0x100000, s0  }
0x76: {  	[sflag:s0] =	ssyncadd.tile.s32 @!p0 $0x1;
	_ =	shalt  }
.Lfunc_end2:
_tile_overlayer_lowered:
.L_overlay_start_2:
0x77: {  	(tag) =	ssettag $0x2  }
0x78: {  	s0 =	rddreg [dreg:$0x0];
	s2 =	stileid.u32  }
0x79: {  	s1 =	rddreg [dreg:$0x1];
	p0 =	sne.s32 s2, $0x0  }
0x7a: {  	s3 =	rddreg [dreg:$0x2];
	[bflag:$0x3] =	sbarrier.arrive $0xFFFF;
	s2 =	simm.s32 @!p0 $0x1C03  }
0x7b: {  	[timem:s3], [sflag:s2] =	dma.local @!p0 [hbm:s0], s1  }
0x7c: {  	s0 =	simm.s32 @!p0 $0x3  }
0x7d: {  	_ =	swait.ge @!p0 [sflag:s0], s1  }
0x7e: {  	s1 =	ssub.s32 @!p0 $0x0, s1;
	[sflag:s0] =	ssyncset.done @!p0 $0x0  }
0x7f: {  	[sflag:s0] =	ssyncadd.s32 @!p0 s1  }
0x80: {  	[bflag:$0x3] =	sbarrier.arrive $0xFFFF  }
0x81: {  	_ =	shalt  }

// kernel: sparse-core-data-format-call.cloned.1.call-start
scs
called_computation_lowered:
.L_overlay_start_0:
0x0: {  	s2 =	sld [smem:$0x3FD9]  }
0x1: {  	s3 =	sld [smem:$0x3FFE];
	_ =	sdelay $0x1  }
0x2: {  	s1 =	srdreg.scid  }
0x3: {  	s0 =	sand.u32 $0x1, s1  }
0x4: {  	s18 =	sshll.u32 s0, $0xA;
	s2 =	sadd.s32 s3, s2  }
0x5: {  	s2 =	sadd.s32 s2, s18  }
0x6: {  	[smem:$0x3FC6] =	sst s2  }
0x7: {  	_ = 	snop  }
0x8: {  	s2 =	sld [smem:$0x3FD0];
	(tm) =	ssettm $0x1  }
0x9: {  	s19 =	sld [smem:$0x3FFB];
	_ =	sdelay $0x3  }
0xa: {  	_ =	strace s19  }
0xb: {  	s3 =	sld [smem:$0x3FFC];
	_ =	sdelay $0x3  }
0xc: {  	_ =	strace s3  }
0xd: {  	s3 =	sld [smem:$0x3FFD];
	_ =	sdelay $0x3  }
0xe: {  	_ =	strace s3  }
0xf: {  	_ =	strace $0x8FFFFFFF  }
0x10: {  	s20 =	sld [smem:$0x3FDB];
	_ =	sdelay $0x1  }
0x11: {  	s4 =	simm.s32 $_scs_section_size  }
0x12: {  	s5 =	simm.s32 $_size__tile_overlayer_lowered;
	s6 =	simm.s32 $_tile_overlayer_lowered  }
0x13: {  	s23 =	simm.s32 $0x1BFF;
	s22 =	sshll.u32 s6, $0x1;
	s3 =	sadd.s32 s4, s20  }
0x14: {  	s7 =	simm.s32 $0x0;
	s21 =	sshll.u32 s5, $0x1;
	s5 =	sadd.s32 s22, s3  }
0x15: {  	[timem:s7], [sflag:s23] =	dma.local [hbm:s5], s21  }
0x16: {  	_ =	swait.ge [sflag:s23], s21  }
0x17: {  	s4 =	ssub.s32 $0x0, s21;
	[sflag:s23] =	ssyncset.done $0x0  }
0x18: {  	[sflag:s23] =	ssyncadd.s32 s4;
	_ =	sdelay $0x1  }
0x19: {  	s24 =	simm.s32 $0x1B8B  }
0x1a: {  	_ =	swait.ge [sflag:s24], $0x1  }
0x1b: {  	[sflag:s24] =	ssyncset.done $0x0  }
0x1c: {  	s26 =	simm.s32 $0x1B8E;
	s25 =	sld [smem:$0x3FFE];
	[sflag:s24] =	ssyncadd.s32 $0xFFFFFFFF  }
0x1d: {  	s27 =	simm.s32 $execute0_lowered;
	[smem:$0x3FD2] =	sst s26  }
0x1e: {  	s5 =	sshll.u32 s27, $0x1;
	_ =	strace $0x80000049;
	[dreg:$0x1] =	wrdreg $0xFFFFFFFF  }
0x1f: {  	s28 =	simm.s32 $_size_execute0_lowered;
	s3 =	sadd.s32 s3, s5;
	[dreg:$0x0] =	wrdreg $0x0  }
0x20: {  	s5 =	sshll.u32 s28, $0x1;
	[dreg:$0x2] =	wrdreg s3  }
0x21: {  	[dreg:$0x3] =	wrdreg s5  }
0x22: {  	[dreg:$0x4] =	wrdreg $0xC0  }
0x23: {  	_ =	task [dreg:s7], $0x5FFFF  }
0x24: {  	[dreg:$0x1] =	wrdreg $0xFFFFFFFF  }
0x25: {  	[dreg:$0x0] =	wrdreg $0x60  }
0x26: {  	[dreg:$0x2] =	wrdreg s25  }
0x27: {  	[dreg:$0x3] =	wrdreg s2  }
0x28: {  	[dreg:$0x4] =	wrdreg $0x9  }
0x29: {  	_ =	task.clear_ibuf [dreg:s7], $0x5FFFF;
	_ =	strace $0x90000049  }
0x2a: {  	s29 =	simm.s32 $0x9;
	_ =	strace $0x8000004B  }
0x2b: {  	_ =	swait.ge [sflag:s29], $0x1  }
0x2c: {  	[sflag:s29] =	ssyncadd.s32 $0xFFFFFFFF  }
0x2d: {  	_ =	strace $0x9000004B  }
0x2e: {  	_ =	sfence  }
0x2f: {  	s30 =	sld [smem:$0x0];
	_ =	sdelay $0x2  }
0x30: {  	s31 =	sshll.u32 s1, $0xD;
	s1 =	sshrl.u32 s1, $0x2  }
0x31: {  	s3 =	sand.u32 $0x4000, s31;
	s1 =	sadd.s32 s1, s30  }
0x32: {  	s0 =	sor.u32 s3, s0;
	s1 =	sshll.u32 s1, $0x11  }
0x33: {  	s0 =	sor.u32 s1, s0  }
0x34: {  	s0 =	sadd.s32 $0x8F2B, s0  }
0x35: {  	[sflag:s0] =	ssyncadd.remote.s32 $0x1  }
0x36: {  	_ =	sfence.sel $0xFFFF  }
0x37: {  	[dreg:$0x0] =	wrdreg $0xFFFFFFFF;
	(pc) =	sbr.abs _section_cstart, $3  }
0x38: {  	[dreg:$0x1] =	wrdreg $0xFFFFFFFF  }
0x39: {  	_ =	task.clear_ibuf [dreg:s7], $0x2FFFF;
	_ =	strace $0x9FFFFFFF  }
0x3a: {  	(tm) =	ssettm $0x7FFFFFFF  }
0x3b: {  	_ =	shalt  }
tec
execute0_lowered:
.L_overlay_start_1:
0x0: {  	(tag) =	ssettag $0x1  }
0x1: {  	s0 =	srdreg.scid  }
0x2: {  	s1 =	sshll.u32 s0, $0x4  }
0x3: {  	s4 =	rddreg [dreg:$0x0];
	s0 =	stileid.u32;
	s1 =	sand.u32 $0x10, s1  }
0x4: {  	s2 =	rddreg [dreg:$0x1];
	s7 =	simm.s32 $0x1;
	s1 =	sor.u32 s0, s1  }
0x5: {  	s8 =	simm.s32 $0x2;
	s11 =	simm.s32 $0x0;
	s3 =	sshll.u32 s1, $0x7  }
0x6: {  	s10 =	simm.s32 $0x0;
	s4 =	sadd.s32 $0x800, s4;
	s6 =	ssub.s32 $0xC8000, s3  }
.Ltmp0:
0x7: {  	s1 =	rddreg [dreg:$0x2];
	s5 =	sand.u32 $0xF80, s6;
	(pc) =	sbr.rel .LBB1_1-.Ltmp0, $4  }
0x8: {  	_ =	strace $0x8000004A;
	s9 =	smov.u32 s3;
	p0 =	sne.s32 s5, $0x0  }
0x9: {  	s6 =	sshrl.u32 s6, $0xC;
	s5 =	simm.s32 $0x1;
	s7 =	simm.s32 @!p0 $0x0  }
0xa: {  	[sflag:s5] =	ssyncpa.u1 $0x0;
	p0 =	por $0x0, $0x0;
	s6 =	sadd.s32 s7, s6  }
0xb: {  	[sflag:s8] =	ssyncpa.u1 $0x0;
	s8 =	simm.s32 $0x640000;
	s7 =	sadd.s32 $0x1, s6  }
.LBB1_4:
0xc: {  	s14 =	sshll.u32 s11, $0x3  }
0xd: {  	s30 =	sand.u32 $0x7F, s11;
	s15 =	sand.u32 $0xFFFFFC00, s14  }
0xe: {  	s11 =	sor.u32 s30, s15  }
0xf: {  	s15 =	smulhi.u32 $0x51EB851F, s11  }
0x10: {  	s14 =	smulhi.u32 $0x51EB851F, s14  }
0x11: {  	s15 =	sshrl.u32 s15, $0x12  }
0x12: {  	s14 =	sshrl.u32 s14, $0x12;
	s15 =	smul.u32 $0xC8000, s15  }
0x13: {  	s14 =	sand.u32 $0x3F, s14  }
0x14: {  	s14 =	smul.u32 $0x19000, s14;
	s11 =	ssub.s32 s11, s15  }
0x15: {  	[tilespmem:s13+$0x810 ss:$0x81] =	vst.msk $0xffff, v2;
	s15 =	sand.u32 $0x7, s11  }
0x16: {  	[tilespmem:s13+$0x1020 ss:$0x81] =	vst.msk $0xffff, v0;
	s14 =	sadd.s32 s2, s14;
	s11 =	sshrl.u32 s11, $0x3;
	s15 =	sshll.u32 s15, $0x12  }
0x17: {  	[tilespmem:s13+$0x0 ss:$0x81] =	vst.msk $0xffff, v1;
	s11 =	sadd.s32 s11, s14;
	s31 =	sor.u32 $0x400, s15  }
0x18: {  	[hbm4b:s11+s31] =	stream.strided.scatter [tilespmem:s12], [sflag:$0x2], $0x2000, s8, s31, $0x20;
	[tilespmem:$0x8080] =	vst v63  }
.LBB1_5:
0x19: {  	s13 =	sadd.s32 $0x1000, s9  }
0x1a: {  	p2 =	sgt.s32 s13, $0xC7FFF  }
0x1b: {  	s13 =	smov.u32 @p2 s3;
	p2 =	sne.s32 s10, s7  }
.Ltmp1:
0x1c: {  	p1 =	slt.u32 s10, $0x2;
	(pc) =	sbr.rel @!p2 .LBB1_6-.Ltmp1, $4  }
0x1d: {  	s12 =	simm.s32 @!p1 $0x2  }
0x1e: {  	s14 =	sadd.s32 $0x1, s10;
	_ =	swait.ge @!p1 [sflag:s12], $0x2000  }
0x1f: {  	s11 =	smov.u32 s9;
	p0 =	por !p0, !p0;
	[sflag:s12] =	ssyncset.done @!p1 $0x0  }
0x20: {  	s10 =	smov.u32 s14;
	s9 =	smov.u32 s13;
	[sflag:s12] =	ssyncadd.s32 @!p1 $0xFFFFE000  }
.LBB1_1:
0x21: {  	p1 =	sge.u32 s10, s6  }
0x22: {  	s12 =	sand.u32 @!p1 $0x1FFFFFF, s9  }
0x23: {  	s13 =	smulhi.u32 @!p1 $0x147AE15, s12;
	_ =	sdelay $0x1  }
0x24: {  	s13 =	sshrl.u32 @!p1 s13, $0xC  }
0x25: {  	s13 =	smul.u32 @!p1 $0xC8000, s13;
	_ =	sdelay $0x1  }
0x26: {  	s31 =	sadd.s32 $0xFFFFFFFF, s10;
	s14 =	sxor.u32 @!p1 $0xFFFFFFFF, s10;
	s12 =	ssub.s32 @!p1 s12, s13  }
0x27: {  	s15 =	simm.s32 @!p1 $0x80;
	s14 =	sshll.u32 @!p1 s14, $0xD;
	s12 =	sshll.u32 @!p1 s12, $0x4  }
0x28: {  	s13 =	sand.u32 @!p1 $0x2000, s14;
	s14 =	simm.s32 @!p1 $0x40;
	s12 =	sadd.s32 @!p1 s4, s12  }
0x29: {  	[tilespmem:s13], [sflag:$0x1] =	stream.strided.gather @!p1 [hbm4b:s12+s14], $0x2000, s15, s14, $0x38;
	[tilespmem:$0x8080] =	vst v63  }
0x2a: {  	p1 =	sge.u32 s31, s6  }
.Ltmp2:
0x2b: {  	_ = 	snop;
	(pc) =	sbr.rel @p1 .LBB1_5-.Ltmp2, $1  }
0x2c: {  	_ =	sdelay $0x3  }
0x2d: {  	s12 =	simm.s32 $0x1  }
0x2e: {  	_ =	swait.ge [sflag:s5], $0x2000;
	s12 =	simm.s32 @!p0 $0x0  }
0x2f: {  	[sflag:s5] =	ssyncset.done $0x0;
	s13 =	sshll.u32 s12, $0xD  }
0x30: {  	[sflag:s5] =	ssyncadd.s32 $0xFFFFE000;
	s16 =	sor.u32 $0x20, s13  }
0x31: {  	s12 =	smul.u32 $0x8100, s12;
	v3 =	vld [tilespmem:s16+$0x10]  }
0x32: {  	s30 =	sand.u32 $0x1, s10;
	v2 =	vld [tilespmem:s16+$0xFFFFFFF0]  }
0x33: {  	s13 =	smul.u32 $0x8100, s30;
	s12 =	sshrl.u32 s12, $0x2;
	v0 =	vld [tilespmem:s16+$0x0]  }
0x34: {  	v1 =	vld [tilespmem:s16+$0xFFFFFFE0];
	s14 =	sor.u32 $0x4000, s12  }
0x35: {  	s31 =	sshrl.u32 s13, $0x2;
	s13 =	sadd.s32 $0x0, s14  }
0x36: {  	s15 =	simm.s32 $0x4;
	s16 =	sadd.s32 $0x40, s16;
	s12 =	sor.u32 $0x4000, s31;
	[tilespmem:s13+$0x1830 ss:$0x81] =	vst.msk $0xffff, v3  }
.LBB1_3:
0x37: {  	v3 =	vld [tilespmem:s16+$0x10];
	p1 =	sne.s32 s15, $0x1FC;
	[tilespmem:s13+$0x810 ss:$0x81] =	vst.msk $0xffff, v2;
	s17 =	smov.u32 s15;
	s15 =	sadd.s32 $0x4, s15  }
.Ltmp3:
0x38: {  	v2 =	vld [tilespmem:s16+$0xFFFFFFF0];
	[tilespmem:s13+$0x1020 ss:$0x81] =	vst.msk $0xffff, v0;
	(pc) =	sbr.rel @p1 .LBB1_3-.Ltmp3, $4  }
0x39: {  	v0 =	vld [tilespmem:s16+$0x0];
	[tilespmem:s13+$0x0 ss:$0x81] =	vst.msk $0xffff, v1  }
0x3a: {  	s13 =	sshra.s32 s17, $0x2;
	v1 =	vld [tilespmem:s16+$0xFFFFFFE0]  }
0x3b: {  	s13 =	sadd.s32 s13, s14  }
0x3c: {  	s16 =	sadd.s32 $0x40, s16;
	[tilespmem:s13+$0x1830 ss:$0x81] =	vst.msk $0xffff, v3  }
.Ltmp4:
0x3d: {  	_ = 	snop;
	(pc) =	sbr.rel .LBB1_4-.Ltmp4, $1  }
0x3e: {  	_ =	sdelay $0x3  }
.LBB1_6:
0x3f: {  	_ =	sfence.sel $0x180000  }
0x40: {  	s2 =	simm.s32 $0x1;
	[bflag:$0x0] =	sbarrier.arrive $0xFFFF  }
0x41: {  	s31 =	simm.s32 $0x2;
	[sflag:s2] =	ssyncpa.u1 $0x1  }
0x42: {  	[sflag:s31] =	ssyncpa.u1 $0x1  }
0x43: {  	p0 =	sne.s32 s0, $0x0;
	_ =	strace $0x9000004A  }
0x44: {  	s0 =	sadd.s32 @!p0 $0x100000, s1;
	[bflag:$0x2] =	sbarrier.arrive $0xFFFF  }
0x45: {  	[sflag:s0] =	ssyncadd.tile.s32 @!p0 $0x1;
	_ =	shalt  }
.Lfunc_end1:
_tile_overlayer_lowered:
.L_overlay_start_2:
0x46: {  	(tag) =	ssettag $0x2  }
0x47: {  	s0 =	rddreg [dreg:$0x0];
	s2 =	stileid.u32  }
0x48: {  	s1 =	rddreg [dreg:$0x1];
	p0 =	sne.s32 s2, $0x0  }
0x49: {  	s3 =	rddreg [dreg:$0x2];
	[bflag:$0x3] =	sbarrier.arrive $0xFFFF;
	s2 =	simm.s32 @!p0 $0x1C01  }
0x4a: {  	[timem:s3], [sflag:s2] =	dma.local @!p0 [hbm:s0], s1  }
0x4b: {  	s0 =	simm.s32 @!p0 $0x1  }
0x4c: {  	_ =	swait.ge @!p0 [sflag:s0], s1  }
0x4d: {  	s1 =	ssub.s32 @!p0 $0x0, s1;
	[sflag:s0] =	ssyncset.done @!p0 $0x0  }
0x4e: {  	[sflag:s0] =	ssyncadd.s32 @!p0 s1  }
0x4f: {  	[bflag:$0x3] =	sbarrier.arrive $0xFFFF  }
0x50: {  	_ =	shalt  }

</sc_bundles>
